<compile_context>
chip_gen: v7x
topology: tpu7x:2x2x1
jax: 0.10.2.dev20260603
libtpu: 0.0.44.dev20260713+nightly
codegen_flags: <defaults>
</compile_context>

<pallas_src>
import functools

import jax
import jax.numpy as jnp
from jax import lax
from jax.experimental import pallas as pl
from jax.experimental.pallas import tpu as pltpu
from jax.experimental.pallas import tpu_sc as plsc

N = 10000
NPAD = 10240
E = 160000
EB = 125
NCHUNK = E // EB
NC, NS = 2, 16
NW = NC * NS
ROWS_W = NCHUNK // NW
EDGES_W = E // NW
STRIPE = NPAD // NS
BLK = 2000
GRID = N // BLK
MBLK = 2048
MMGRID = NPAD // MBLK

_mesh = plsc.VectorSubcoreMesh(core_axis_name="c", subcore_axis_name="s")


@functools.partial(
    pl.kernel,
    mesh=_mesh,
    compiler_params=pltpu.CompilerParams(needs_layout_passes=False),
    out_type=jax.ShapeDtypeStruct((NC, NPAD), jnp.float32),
    scratch_types=[
        pltpu.VMEM((ROWS_W, EB), jnp.int32),
        pltpu.VMEM((NPAD,), jnp.float32),
        pltpu.VMEM((NS, STRIPE), jnp.float32),
        pltpu.VMEM((STRIPE,), jnp.float32),
        pltpu.VMEM_SHARED((NS, NPAD), jnp.float32),
    ],
)
def _deg(edge_hbm, out_hbm, dstl, hist, buf, acc, shared):
    c = lax.axis_index("c")
    s = lax.axis_index("s")
    wid = c * NS + s
    zeros = jnp.zeros((16,), jnp.float32)
    ones = jnp.ones((16,), jnp.float32)
    pltpu.sync_copy(edge_hbm.at[1, pl.ds(wid * ROWS_W, ROWS_W)], dstl)

    @pl.loop(0, NPAD // 16)
    def _(i):
        hist[pl.ds(i * 16, 16)] = zeros

    tail_mask = lax.iota(jnp.int32, 16) >= 3

    @pl.loop(0, ROWS_W)
    def _(r):
        for k in range(EB // 16):
            idx = dstl[r, pl.ds(k * 16, 16)]
            plsc.addupdate_scatter(hist, [idx], ones)
        idx = dstl[r, pl.ds(EB - 16, 16)]
        plsc.addupdate_scatter(hist, [idx], ones, mask=tail_mask)

    pltpu.sync_copy(hist, shared.at[s])
    plsc.subcore_barrier()
    pltpu.sync_copy(shared.at[:, pl.ds(s * STRIPE, STRIPE)], buf)

    @pl.loop(0, STRIPE // 16)
    def _(j):
        v = buf[0, pl.ds(j * 16, 16)]
        for k in range(1, NS):
            v = v + buf[k, pl.ds(j * 16, 16)]
        acc[pl.ds(j * 16, 16)] = v

    pltpu.sync_copy(acc, out_hbm.at[c, pl.ds(s * STRIPE, STRIPE)])


def _make_agg(D):
    @functools.partial(
        pl.kernel,
        mesh=_mesh,
        out_type=jax.ShapeDtypeStruct((NC, NPAD, D), jnp.float32),
        scratch_types=[
            pltpu.VMEM((ROWS_W, EB), jnp.int32),
            pltpu.VMEM((ROWS_W, EB), jnp.int32),
            pltpu.VMEM((EB, D), jnp.float32),
            pltpu.VMEM((EB, D), jnp.float32),
            pltpu.VMEM_SHARED((NPAD, D), jnp.float32),
            pltpu.SemaphoreType.DMA,
            pltpu.SemaphoreType.DMA,
        ],
    )
    def _agg(hs_hbm, edge_hbm, out_hbm,
             srcl, dstl, rows0, rows1, aggsh, sem0, sem1):
        c = lax.axis_index("c")
        s = lax.axis_index("s")
        wid = c * NS + s
        pltpu.sync_copy(edge_hbm.at[0, pl.ds(wid * ROWS_W, ROWS_W)], srcl)
        pltpu.sync_copy(edge_hbm.at[1, pl.ds(wid * ROWS_W, ROWS_W)], dstl)
        zeros = jnp.zeros((16,), jnp.float32)

        @pl.loop(0, EB * D // 16)
        def _(i):
            r = i // (D // 16)
            k = i % (D // 16)
            rows0[r, pl.ds(k * 16, 16)] = zeros

        for q in range(STRIPE // EB):
            pltpu.sync_copy(rows0, aggsh.at[pl.ds(s * STRIPE + q * EB, EB)])
        rem = STRIPE - (STRIPE // EB) * EB
        if rem:
            pltpu.sync_copy(
                rows0.at[pl.ds(0, rem)],
                aggsh.at[pl.ds(s * STRIPE + STRIPE - rem, rem)])

        pltpu.async_copy(hs_hbm.at[srcl.at[0]], rows0, sem0)
        pltpu.async_copy(hs_hbm.at[srcl.at[1]], rows1, sem1)
        plsc.subcore_barrier()

        @pl.loop(0, ROWS_W // 2 - 1)
        def _(i):
            j = i * 2
            pltpu.make_async_copy(hs_hbm.at[srcl.at[j]], rows0, sem0).wait()
            pltpu.sync_copy(rows0, aggsh.at[dstl.at[j]], add=True)
            pltpu.async_copy(hs_hbm.at[srcl.at[j + 2]], rows0, sem0)
            pltpu.make_async_copy(
                hs_hbm.at[srcl.at[j + 1]], rows1, sem1).wait()
            pltpu.sync_copy(rows1, aggsh.at[dstl.at[j + 1]], add=True)
            pltpu.async_copy(hs_hbm.at[srcl.at[j + 3]], rows1, sem1)

        pltpu.make_async_copy(
            hs_hbm.at[srcl.at[ROWS_W - 2]], rows0, sem0).wait()
        pltpu.sync_copy(rows0, aggsh.at[dstl.at[ROWS_W - 2]], add=True)
        pltpu.make_async_copy(
            hs_hbm.at[srcl.at[ROWS_W - 1]], rows1, sem1).wait()
        pltpu.sync_copy(rows1, aggsh.at[dstl.at[ROWS_W - 1]], add=True)
        plsc.subcore_barrier()
        pltpu.sync_copy(aggsh.at[pl.ds(s * STRIPE, STRIPE)],
                        out_hbm.at[c, pl.ds(s * STRIPE, STRIPE)])

    return _agg


_agg128 = _make_agg(128)


def _mm1_body(p_ref, x_ref, w_ref, hs_ref, d_ref):
    dinv = lax.rsqrt(1.0 + p_ref[0] + p_ref[1])[:, None]
    d_ref[...] = dinv
    h = jnp.dot(x_ref[...], w_ref[...], preferred_element_type=jnp.float32)
    hs_ref[...] = h * dinv


def _fuse1_body(p_ref, hs_ref, d_ref, b1_ref, o_ref):
    t = (p_ref[0] + p_ref[1] + hs_ref[...]) * d_ref[...] + b1_ref[...]
    o_ref[...] = jnp.maximum(t, 0.0) * d_ref[...]


def _fuse2_body(p_ref, g_ref, d_ref, w2_ref, b2_ref, o_ref):
    v = (p_ref[0] + p_ref[1] + g_ref[...]) * d_ref[...]
    o_ref[...] = (
        jnp.dot(v, w2_ref[...], preferred_element_type=jnp.float32)
        + b2_ref[...]
    )


def kernel(x, edge_index, W1, b1, W2, b2):
    f32 = jnp.float32
    e3 = edge_index.astype(jnp.int32).reshape(2, NCHUNK, EB)
    b1r = b1.reshape(1, -1)
    b2r = b2.reshape(1, -1)

    parts_deg = _deg(e3)

    hs1, dinv = pl.pallas_call(
        _mm1_body,
        grid=(MMGRID,),
        in_specs=[
            pl.BlockSpec((NC, MBLK), lambda i: (0, i)),
            pl.BlockSpec((MBLK, 256), lambda i: (i, 0)),
            pl.BlockSpec((256, 128), lambda i: (0, 0)),
        ],
        out_specs=(
            pl.BlockSpec((MBLK, 128), lambda i: (i, 0)),
            pl.BlockSpec((MBLK, 1), lambda i: (i, 0)),
        ),
        out_shape=(
            jax.ShapeDtypeStruct((N, 128), f32),
            jax.ShapeDtypeStruct((N, 1), f32),
        ),
    )(parts_deg, x, W1)

    parts1 = _agg128(hs1, e3)

    g = pl.pallas_call(
        _fuse1_body,
        grid=(GRID,),
        in_specs=[
            pl.BlockSpec((NC, BLK, 128), lambda i: (0, i, 0)),
            pl.BlockSpec((BLK, 128), lambda i: (i, 0)),
            pl.BlockSpec((BLK, 1), lambda i: (i, 0)),
            pl.BlockSpec((1, 128), lambda i: (0, 0)),
        ],
        out_specs=pl.BlockSpec((BLK, 128), lambda i: (i, 0)),
        out_shape=jax.ShapeDtypeStruct((N, 128), f32),
    )(parts1, hs1, dinv, b1r)

    parts2 = _agg128(g, e3)

    out = pl.pallas_call(
        _fuse2_body,
        grid=(GRID,),
        in_specs=[
            pl.BlockSpec((NC, BLK, 128), lambda i: (0, i, 0)),
            pl.BlockSpec((BLK, 128), lambda i: (i, 0)),
            pl.BlockSpec((BLK, 1), lambda i: (i, 0)),
            pl.BlockSpec((128, 10), lambda i: (0, 0)),
            pl.BlockSpec((1, 10), lambda i: (0, 0)),
        ],
        out_specs=pl.BlockSpec((BLK, 10), lambda i: (i, 0)),
        out_shape=jax.ShapeDtypeStruct((N, 10), f32),
    )(parts2, g, dinv, W2, b2r)

    return out

# --- scband reference (transcript-rebuilt; emitter-appended) ---
"""Pipeline reference for scband-graph-net-65146063946079 (READ-ONLY COPY).

The authoritative reference and input builder live on the scoring server;
editing this copy changes nothing except your own understanding.
"""

import jax, jax.numpy as jnp
import numpy as np

N_NODES = 10000


def gcn_conv(x, edge_index, W, b):
    # PyG GCNConv: add self-loops, symmetric normalization, linear, scatter-add aggregate
    src = edge_index[0]
    dst = edge_index[1]
    loop = jnp.arange(N_NODES, dtype=edge_index.dtype)
    src = jnp.concatenate([src, loop])
    dst = jnp.concatenate([dst, loop])
    ones = jnp.ones(src.shape[0], dtype=x.dtype)
    deg = jax.ops.segment_sum(ones, dst, num_segments=N_NODES)
    deg_inv_sqrt = jnp.where(deg > 0, jax.lax.rsqrt(deg), 0.0)
    norm = deg_inv_sqrt[src] * deg_inv_sqrt[dst]
    h = x @ W
    msgs = h[src] * norm[:, None]
    out = jax.ops.segment_sum(msgs, dst, num_segments=N_NODES)
    return out + b


def setup_inputs(seed: int = 0) -> dict:
    key = jax.random.key(seed)
    k1, k2, k3, k4, k5 = jax.random.split(key, 5)
    x = jax.random.normal(k1, (N_NODES, 256), dtype=jnp.float32)
    edge_index = jax.random.randint(k2, (2, 160000), 0, N_NODES, dtype=jnp.int64)
    # glorot-style init for GCN weights
    W1 = jax.random.normal(k3, (256, 128), dtype=jnp.float32) * (1.0 / np.sqrt(256))
    b1 = jnp.zeros((128,), dtype=jnp.float32)
    W2 = jax.random.normal(k4, (128, 10), dtype=jnp.float32) * (1.0 / np.sqrt(128))
    b2 = jnp.zeros((10,), dtype=jnp.float32)
    return {"x": x, "edge_index": edge_index, "W1": W1, "b1": b1, "W2": W2, "b2": b2}


def reference(x, edge_index, W1, b1, W2, b2):
    h = gcn_conv(x, edge_index, W1, b1)
    h = jax.nn.relu(h)
    out = gcn_conv(h, edge_index, W2, b2)
    return out

if __name__ == "__main__":
    import jax
    _d = setup_inputs()
    print(jax.jit(kernel)(*tuple(_d.values())))

</pallas_src>

<mosaic_0001>
#map = affine_map<(d0, d1) -> (0, 0)>
#map1 = affine_map<(d0, d1) -> (0, 0, 0)>
module attributes {stable_mosaic.version = 14 : i64} {
  func.func @_agg(%arg0: i32, %arg1: i32, %arg2: memref<10000x128xf32, #tpu.memory_space<hbm>>, %arg3: memref<2x1280x125xi32, #tpu.memory_space<hbm>>, %arg4: memref<2x10240x128xf32, #tpu.memory_space<hbm>>, %arg5: memref<40x125xi32, #tpu.memory_space<vmem>>, %arg6: memref<40x125xi32, #tpu.memory_space<vmem>>, %arg7: memref<125x128xf32, #tpu.memory_space<vmem>>, %arg8: memref<125x128xf32, #tpu.memory_space<vmem>>, %arg9: memref<10240x128xf32, #tpu.memory_space<vmem_shared>>, %arg10: memref<!tpu.dma_semaphore, #tpu.memory_space<semaphore_mem>>, %arg11: memref<!tpu.dma_semaphore, #tpu.memory_space<semaphore_mem>>) attributes {dimension_semantics = [#tpu.dimension_semantics<core_parallel>, #tpu.dimension_semantics<subcore_parallel>], iteration_bounds = array<i64: 2, 16>, scalar_prefetch = 0 : i64, scratch_operands = 7 : i64, tpu.core_type = #tpu.core_type<sc_vector_subcore>, window_params = [{transform_indices = #map}, {transform_indices = #map1}, {transform_indices = #map1}]} {
    %mul3A = arith.constant 16 : i32
    %mul3A_0 = arith.muli %arg0, %mul3A : i32
    %add3A = arith.addi %mul3A_0, %arg1 : i32
    %mul3A_1 = arith.constant 40 : i32
    %mul3A_2 = arith.muli %add3A, %mul3A_1 : i32
    %run_scoped3A = arith.constant 0 : i32
    "tpu.region"() ({
      %run_scoped3A_74 = tpu.sem_alloc : memref<!tpu.dma_semaphore, #tpu.memory_space<semaphore_mem>>
      %dma_start3A_75 = arith.constant 0 : i32
      %dma_start3A_76 = tpu.memref_slice %arg3[%run_scoped3A, %mul3A_2, %dma_start3A_75] : memref<2x1280x125xi32, #tpu.memory_space<hbm>> -> memref<1x40x125xi32, #tpu.memory_space<hbm>>
      %dma_start3A_77 = tpu.memref_squeeze %dma_start3A_76 : memref<1x40x125xi32, #tpu.memory_space<hbm>> -> memref<40x125xi32, #tpu.memory_space<hbm>>
      %dma_start3A_78 = arith.constant 0 : i32
      %dma_start3A_79 = tpu.memref_slice %arg3[%run_scoped3A, %mul3A_2, %dma_start3A_78] : memref<2x1280x125xi32, #tpu.memory_space<hbm>> -> memref<1x40x125xi32, #tpu.memory_space<hbm>>
      %dma_start3A_80 = tpu.memref_squeeze %dma_start3A_79 : memref<1x40x125xi32, #tpu.memory_space<hbm>> -> memref<40x125xi32, #tpu.memory_space<hbm>>
      tpu.enqueue_dma source(%dma_start3A_80 : memref<40x125xi32, #tpu.memory_space<hbm>>) target(%arg5 : memref<40x125xi32, #tpu.memory_space<vmem>>) target_semaphore(%run_scoped3A_74 : memref<!tpu.dma_semaphore, #tpu.memory_space<semaphore_mem>>)
      %dma_wait3A_81 = arith.constant 0 : i32
      %dma_wait3A_82 = tpu.memref_slice %arg3[%run_scoped3A, %mul3A_2, %dma_wait3A_81] : memref<2x1280x125xi32, #tpu.memory_space<hbm>> -> memref<1x40x125xi32, #tpu.memory_space<hbm>>
      %dma_wait3A_83 = tpu.memref_squeeze %dma_wait3A_82 : memref<1x40x125xi32, #tpu.memory_space<hbm>> -> memref<40x125xi32, #tpu.memory_space<hbm>>
      %dma_wait3A_84 = arith.constant 0 : i32
      %dma_wait3A_85 = tpu.memref_slice %arg3[%run_scoped3A, %mul3A_2, %dma_wait3A_84] : memref<2x1280x125xi32, #tpu.memory_space<hbm>> -> memref<1x40x125xi32, #tpu.memory_space<hbm>>
      %dma_wait3A_86 = tpu.memref_squeeze %dma_wait3A_85 : memref<1x40x125xi32, #tpu.memory_space<hbm>> -> memref<40x125xi32, #tpu.memory_space<hbm>>
      tpu.wait_dma2 semaphore(%run_scoped3A_74 : memref<!tpu.dma_semaphore, #tpu.memory_space<semaphore_mem>>) src(%dma_wait3A_86 : memref<40x125xi32, #tpu.memory_space<hbm>>) dst(%arg5 : memref<40x125xi32, #tpu.memory_space<vmem>>)
      tpu.yield
    }) : () -> ()
    %mul3A_3 = arith.constant 40 : i32
    %mul3A_4 = arith.muli %add3A, %mul3A_3 : i32
    %run_scoped3A_5 = arith.constant 1 : i32
    "tpu.region"() ({
      %run_scoped3A_74 = tpu.sem_alloc : memref<!tpu.dma_semaphore, #tpu.memory_space<semaphore_mem>>
      %dma_start3A_75 = arith.constant 0 : i32
      %dma_start3A_76 = tpu.memref_slice %arg3[%run_scoped3A_5, %mul3A_4, %dma_start3A_75] : memref<2x1280x125xi32, #tpu.memory_space<hbm>> -> memref<1x40x125xi32, #tpu.memory_space<hbm>>
      %dma_start3A_77 = tpu.memref_squeeze %dma_start3A_76 : memref<1x40x125xi32, #tpu.memory_space<hbm>> -> memref<40x125xi32, #tpu.memory_space<hbm>>
      %dma_start3A_78 = arith.constant 0 : i32
      %dma_start3A_79 = tpu.memref_slice %arg3[%run_scoped3A_5, %mul3A_4, %dma_start3A_78] : memref<2x1280x125xi32, #tpu.memory_space<hbm>> -> memref<1x40x125xi32, #tpu.memory_space<hbm>>
      %dma_start3A_80 = tpu.memref_squeeze %dma_start3A_79 : memref<1x40x125xi32, #tpu.memory_space<hbm>> -> memref<40x125xi32, #tpu.memory_space<hbm>>
      tpu.enqueue_dma source(%dma_start3A_80 : memref<40x125xi32, #tpu.memory_space<hbm>>) target(%arg6 : memref<40x125xi32, #tpu.memory_space<vmem>>) target_semaphore(%run_scoped3A_74 : memref<!tpu.dma_semaphore, #tpu.memory_space<semaphore_mem>>)
      %dma_wait3A_81 = arith.constant 0 : i32
      %dma_wait3A_82 = tpu.memref_slice %arg3[%run_scoped3A_5, %mul3A_4, %dma_wait3A_81] : memref<2x1280x125xi32, #tpu.memory_space<hbm>> -> memref<1x40x125xi32, #tpu.memory_space<hbm>>
      %dma_wait3A_83 = tpu.memref_squeeze %dma_wait3A_82 : memref<1x40x125xi32, #tpu.memory_space<hbm>> -> memref<40x125xi32, #tpu.memory_space<hbm>>
      %dma_wait3A_84 = arith.constant 0 : i32
      %dma_wait3A_85 = tpu.memref_slice %arg3[%run_scoped3A_5, %mul3A_4, %dma_wait3A_84] : memref<2x1280x125xi32, #tpu.memory_space<hbm>> -> memref<1x40x125xi32, #tpu.memory_space<hbm>>
      %dma_wait3A_86 = tpu.memref_squeeze %dma_wait3A_85 : memref<1x40x125xi32, #tpu.memory_space<hbm>> -> memref<40x125xi32, #tpu.memory_space<hbm>>
      tpu.wait_dma2 semaphore(%run_scoped3A_74 : memref<!tpu.dma_semaphore, #tpu.memory_space<semaphore_mem>>) src(%dma_wait3A_86 : memref<40x125xi32, #tpu.memory_space<hbm>>) dst(%arg6 : memref<40x125xi32, #tpu.memory_space<vmem>>)
      tpu.yield
    }) : () -> ()
    %broadcast_in_dim3A = arith.constant 0.000000e+00 : f32
    %broadcast_in_dim3A_6 = vector.broadcast %broadcast_in_dim3A : f32 to vector<16xf32>
    %scan3A = arith.constant 0 : i32
    %scan3A_7 = arith.constant 1000 : i32
    %scan3A_8 = arith.addi %scan3A, %scan3A_7 : i32
    %scan3A_9 = arith.constant 1 : i32
    scf.for %scan3A_74 = %scan3A to %scan3A_8 step %scan3A_9  : i32 {
      %mul3A_75 = arith.constant 1 : i32
      %mul3A_76 = arith.muli %scan3A_74, %mul3A_75 : i32
      %add3A_77 = arith.constant 0 : i32
      %add3A_78 = arith.addi %add3A_77, %mul3A_76 : i32
      %jit3A = arith.constant 8 : i32
      %div3A = arith.divsi %add3A_78, %jit3A : i32
      %sign3A = arith.constant 0 : i32
      %sign3A_79 = arith.cmpi sgt, %add3A_78, %sign3A : i32
      %sign3A_80 = arith.extui %sign3A_79 : i1 to i32
      %sign3A_81 = arith.constant 0 : i32
      %sign3A_82 = arith.cmpi slt, %add3A_78, %sign3A_81 : i32
      %sign3A_83 = arith.extui %sign3A_82 : i1 to i32
      %sign3A_84 = arith.subi %sign3A_80, %sign3A_83 : i32
      %sign3A_85 = arith.constant 0 : i32
      %sign3A_86 = arith.cmpi sgt, %jit3A, %sign3A_85 : i32
      %sign3A_87 = arith.extui %sign3A_86 : i1 to i32
      %sign3A_88 = arith.constant 0 : i32
      %sign3A_89 = arith.cmpi slt, %jit3A, %sign3A_88 : i32
      %sign3A_90 = arith.extui %sign3A_89 : i1 to i32
      %sign3A_91 = arith.subi %sign3A_87, %sign3A_90 : i32
      %ne3A = arith.cmpi ne, %sign3A_84, %sign3A_91 : i32
      %rem3A = arith.remsi %add3A_78, %jit3A : i32
      %ne3A_92 = arith.constant 0 : i32
      %ne3A_93 = arith.cmpi ne, %rem3A, %ne3A_92 : i32
      %and3A = arith.andi %ne3A, %ne3A_93 : i1
      %sub3A_94 = arith.constant 1 : i32
      %sub3A_95 = arith.subi %div3A, %sub3A_94 : i32
      %select_n3A = arith.select %and3A, %sub3A_95, %div3A : i32
      %jit3A_96 = arith.constant 8 : i32
      %eq3A = arith.constant 0 : i32
      %eq3A_97 = arith.cmpi eq, %jit3A_96, %eq3A : i32
      %jit3A_98 = arith.constant 1 : i32
      %select_n3A_99 = arith.select %eq3A_97, %jit3A_98, %jit3A_96 : i32
      %rem3A_100 = arith.remsi %add3A_78, %select_n3A_99 : i32
      %ne3A_101 = arith.constant 0 : i32
      %ne3A_102 = arith.cmpi ne, %rem3A_100, %ne3A_101 : i32
      %lt3A = arith.constant 0 : i32
      %lt3A_103 = arith.cmpi slt, %rem3A_100, %lt3A : i32
      %lt3A_104 = arith.constant 0 : i32
      %lt3A_105 = arith.cmpi slt, %select_n3A_99, %lt3A_104 : i32
      %ne3A_106 = arith.xori %lt3A_103, %lt3A_105 : i1
      %and3A_107 = arith.andi %ne3A_106, %ne3A_102 : i1
      %add3A_108 = arith.addi %rem3A_100, %select_n3A_99 : i32
      %select_n3A_109 = arith.select %and3A_107, %add3A_108, %rem3A_100 : i32
      %mul3A_110 = arith.constant 16 : i32
      %mul3A_111 = arith.muli %select_n3A_109, %mul3A_110 : i32
      %swap3A = arith.index_cast %select_n3A : i32 to index
      %swap3A_112 = arith.index_cast %mul3A_111 : i32 to index
      %swap3A_113 = tpu.vector_load %arg7[%swap3A, %swap3A_112] {strides = array<i32>} : memref<125x128xf32, #tpu.memory_space<vmem>>, vector<1x16xf32>,
      %swap3A_114 = vector.shape_cast %swap3A_113 : vector<1x16xf32> to vector<16xf32>
      %swap3A_115 = vector.shape_cast %broadcast_in_dim3A_6 : vector<16xf32> to vector<1x16xf32>
      tpu.vector_store %arg7[%swap3A, %swap3A_112], %swap3A_115 {strides = array<i32>} : memref<125x128xf32, #tpu.memory_space<vmem>>, vector<1x16xf32>,
    }
    %scan3A_10 = arith.constant 1000 : i32
    %mul3A_11 = arith.constant 640 : i32
    %mul3A_12 = arith.muli %arg1, %mul3A_11 : i32
    %add3A_13 = arith.constant 0 : i32
    %add3A_14 = arith.addi %mul3A_12, %add3A_13 : i32
    "tpu.region"() ({
      %run_scoped3A_74 = tpu.sem_alloc : memref<!tpu.dma_semaphore, #tpu.memory_space<semaphore_mem>>
      %dma_start3A_75 = arith.constant 0 : i32
      %dma_start3A_76 = tpu.memref_slice %arg9[%add3A_14, %dma_start3A_75] : memref<10240x128xf32, #tpu.memory_space<vmem_shared>> -> memref<125x128xf32, #tpu.memory_space<vmem_shared>>
      %dma_start3A_77 = arith.constant 0 : i32
      %dma_start3A_78 = tpu.memref_slice %arg9[%add3A_14, %dma_start3A_77] : memref<10240x128xf32, #tpu.memory_space<vmem_shared>> -> memref<125x128xf32, #tpu.memory_space<vmem_shared>>
      tpu.enqueue_dma source(%arg7 : memref<125x128xf32, #tpu.memory_space<vmem>>) target(%dma_start3A_78 : memref<125x128xf32, #tpu.memory_space<vmem_shared>>) target_semaphore(%run_scoped3A_74 : memref<!tpu.dma_semaphore, #tpu.memory_space<semaphore_mem>>)
      %dma_wait3A_79 = arith.constant 0 : i32
      %dma_wait3A_80 = tpu.memref_slice %arg9[%add3A_14, %dma_wait3A_79] : memref<10240x128xf32, #tpu.memory_space<vmem_shared>> -> memref<125x128xf32, #tpu.memory_space<vmem_shared>>
      %dma_wait3A_81 = arith.constant 0 : i32
      %dma_wait3A_82 = tpu.memref_slice %arg9[%add3A_14, %dma_wait3A_81] : memref<10240x128xf32, #tpu.memory_space<vmem_shared>> -> memref<125x128xf32, #tpu.memory_space<vmem_shared>>
      tpu.wait_dma2 semaphore(%run_scoped3A_74 : memref<!tpu.dma_semaphore, #tpu.memory_space<semaphore_mem>>) src(%arg7 : memref<125x128xf32, #tpu.memory_space<vmem>>) dst(%dma_wait3A_82 : memref<125x128xf32, #tpu.memory_space<vmem_shared>>)
      tpu.yield
    }) : () -> ()
    %mul3A_15 = arith.constant 640 : i32
    %mul3A_16 = arith.muli %arg1, %mul3A_15 : i32
    %add3A_17 = arith.constant 125 : i32
    %add3A_18 = arith.addi %mul3A_16, %add3A_17 : i32
    "tpu.region"() ({
      %run_scoped3A_74 = tpu.sem_alloc : memref<!tpu.dma_semaphore, #tpu.memory_space<semaphore_mem>>
      %dma_start3A_75 = arith.constant 0 : i32
      %dma_start3A_76 = tpu.memref_slice %arg9[%add3A_18, %dma_start3A_75] : memref<10240x128xf32, #tpu.memory_space<vmem_shared>> -> memref<125x128xf32, #tpu.memory_space<vmem_shared>>
      %dma_start3A_77 = arith.constant 0 : i32
      %dma_start3A_78 = tpu.memref_slice %arg9[%add3A_18, %dma_start3A_77] : memref<10240x128xf32, #tpu.memory_space<vmem_shared>> -> memref<125x128xf32, #tpu.memory_space<vmem_shared>>
      tpu.enqueue_dma source(%arg7 : memref<125x128xf32, #tpu.memory_space<vmem>>) target(%dma_start3A_78 : memref<125x128xf32, #tpu.memory_space<vmem_shared>>) target_semaphore(%run_scoped3A_74 : memref<!tpu.dma_semaphore, #tpu.memory_space<semaphore_mem>>)
      %dma_wait3A_79 = arith.constant 0 : i32
      %dma_wait3A_80 = tpu.memref_slice %arg9[%add3A_18, %dma_wait3A_79] : memref<10240x128xf32, #tpu.memory_space<vmem_shared>> -> memref<125x128xf32, #tpu.memory_space<vmem_shared>>
      %dma_wait3A_81 = arith.constant 0 : i32
      %dma_wait3A_82 = tpu.memref_slice %arg9[%add3A_18, %dma_wait3A_81] : memref<10240x128xf32, #tpu.memory_space<vmem_shared>> -> memref<125x128xf32, #tpu.memory_space<vmem_shared>>
      tpu.wait_dma2 semaphore(%run_scoped3A_74 : memref<!tpu.dma_semaphore, #tpu.memory_space<semaphore_mem>>) src(%arg7 : memref<125x128xf32, #tpu.memory_space<vmem>>) dst(%dma_wait3A_82 : memref<125x128xf32, #tpu.memory_space<vmem_shared>>)
      tpu.yield
    }) : () -> ()
    %mul3A_19 = arith.constant 640 : i32
    %mul3A_20 = arith.muli %arg1, %mul3A_19 : i32
    %add3A_21 = arith.constant 250 : i32
    %add3A_22 = arith.addi %mul3A_20, %add3A_21 : i32
    "tpu.region"() ({
      %run_scoped3A_74 = tpu.sem_alloc : memref<!tpu.dma_semaphore, #tpu.memory_space<semaphore_mem>>
      %dma_start3A_75 = arith.constant 0 : i32
      %dma_start3A_76 = tpu.memref_slice %arg9[%add3A_22, %dma_start3A_75] : memref<10240x128xf32, #tpu.memory_space<vmem_shared>> -> memref<125x128xf32, #tpu.memory_space<vmem_shared>>
      %dma_start3A_77 = arith.constant 0 : i32
      %dma_start3A_78 = tpu.memref_slice %arg9[%add3A_22, %dma_start3A_77] : memref<10240x128xf32, #tpu.memory_space<vmem_shared>> -> memref<125x128xf32, #tpu.memory_space<vmem_shared>>
      tpu.enqueue_dma source(%arg7 : memref<125x128xf32, #tpu.memory_space<vmem>>) target(%dma_start3A_78 : memref<125x128xf32, #tpu.memory_space<vmem_shared>>) target_semaphore(%run_scoped3A_74 : memref<!tpu.dma_semaphore, #tpu.memory_space<semaphore_mem>>)
      %dma_wait3A_79 = arith.constant 0 : i32
      %dma_wait3A_80 = tpu.memref_slice %arg9[%add3A_22, %dma_wait3A_79] : memref<10240x128xf32, #tpu.memory_space<vmem_shared>> -> memref<125x128xf32, #tpu.memory_space<vmem_shared>>
      %dma_wait3A_81 = arith.constant 0 : i32
      %dma_wait3A_82 = tpu.memref_slice %arg9[%add3A_22, %dma_wait3A_81] : memref<10240x128xf32, #tpu.memory_space<vmem_shared>> -> memref<125x128xf32, #tpu.memory_space<vmem_shared>>
      tpu.wait_dma2 semaphore(%run_scoped3A_74 : memref<!tpu.dma_semaphore, #tpu.memory_space<semaphore_mem>>) src(%arg7 : memref<125x128xf32, #tpu.memory_space<vmem>>) dst(%dma_wait3A_82 : memref<125x128xf32, #tpu.memory_space<vmem_shared>>)
      tpu.yield
    }) : () -> ()
    %mul3A_23 = arith.constant 640 : i32
    %mul3A_24 = arith.muli %arg1, %mul3A_23 : i32
    %add3A_25 = arith.constant 375 : i32
    %add3A_26 = arith.addi %mul3A_24, %add3A_25 : i32
    "tpu.region"() ({
      %run_scoped3A_74 = tpu.sem_alloc : memref<!tpu.dma_semaphore, #tpu.memory_space<semaphore_mem>>
      %dma_start3A_75 = arith.constant 0 : i32
      %dma_start3A_76 = tpu.memref_slice %arg9[%add3A_26, %dma_start3A_75] : memref<10240x128xf32, #tpu.memory_space<vmem_shared>> -> memref<125x128xf32, #tpu.memory_space<vmem_shared>>
      %dma_start3A_77 = arith.constant 0 : i32
      %dma_start3A_78 = tpu.memref_slice %arg9[%add3A_26, %dma_start3A_77] : memref<10240x128xf32, #tpu.memory_space<vmem_shared>> -> memref<125x128xf32, #tpu.memory_space<vmem_shared>>
      tpu.enqueue_dma source(%arg7 : memref<125x128xf32, #tpu.memory_space<vmem>>) target(%dma_start3A_78 : memref<125x128xf32, #tpu.memory_space<vmem_shared>>) target_semaphore(%run_scoped3A_74 : memref<!tpu.dma_semaphore, #tpu.memory_space<semaphore_mem>>)
      %dma_wait3A_79 = arith.constant 0 : i32
      %dma_wait3A_80 = tpu.memref_slice %arg9[%add3A_26, %dma_wait3A_79] : memref<10240x128xf32, #tpu.memory_space<vmem_shared>> -> memref<125x128xf32, #tpu.memory_space<vmem_shared>>
      %dma_wait3A_81 = arith.constant 0 : i32
      %dma_wait3A_82 = tpu.memref_slice %arg9[%add3A_26, %dma_wait3A_81] : memref<10240x128xf32, #tpu.memory_space<vmem_shared>> -> memref<125x128xf32, #tpu.memory_space<vmem_shared>>
      tpu.wait_dma2 semaphore(%run_scoped3A_74 : memref<!tpu.dma_semaphore, #tpu.memory_space<semaphore_mem>>) src(%arg7 : memref<125x128xf32, #tpu.memory_space<vmem>>) dst(%dma_wait3A_82 : memref<125x128xf32, #tpu.memory_space<vmem_shared>>)
      tpu.yield
    }) : () -> ()
    %mul3A_27 = arith.constant 640 : i32
    %mul3A_28 = arith.muli %arg1, %mul3A_27 : i32
    %add3A_29 = arith.constant 500 : i32
    %add3A_30 = arith.addi %mul3A_28, %add3A_29 : i32
    "tpu.region"() ({
      %run_scoped3A_74 = tpu.sem_alloc : memref<!tpu.dma_semaphore, #tpu.memory_space<semaphore_mem>>
      %dma_start3A_75 = arith.constant 0 : i32
      %dma_start3A_76 = tpu.memref_slice %arg9[%add3A_30, %dma_start3A_75] : memref<10240x128xf32, #tpu.memory_space<vmem_shared>> -> memref<125x128xf32, #tpu.memory_space<vmem_shared>>
      %dma_start3A_77 = arith.constant 0 : i32
      %dma_start3A_78 = tpu.memref_slice %arg9[%add3A_30, %dma_start3A_77] : memref<10240x128xf32, #tpu.memory_space<vmem_shared>> -> memref<125x128xf32, #tpu.memory_space<vmem_shared>>
      tpu.enqueue_dma source(%arg7 : memref<125x128xf32, #tpu.memory_space<vmem>>) target(%dma_start3A_78 : memref<125x128xf32, #tpu.memory_space<vmem_shared>>) target_semaphore(%run_scoped3A_74 : memref<!tpu.dma_semaphore, #tpu.memory_space<semaphore_mem>>)
      %dma_wait3A_79 = arith.constant 0 : i32
      %dma_wait3A_80 = tpu.memref_slice %arg9[%add3A_30, %dma_wait3A_79] : memref<10240x128xf32, #tpu.memory_space<vmem_shared>> -> memref<125x128xf32, #tpu.memory_space<vmem_shared>>
      %dma_wait3A_81 = arith.constant 0 : i32
      %dma_wait3A_82 = tpu.memref_slice %arg9[%add3A_30, %dma_wait3A_81] : memref<10240x128xf32, #tpu.memory_space<vmem_shared>> -> memref<125x128xf32, #tpu.memory_space<vmem_shared>>
      tpu.wait_dma2 semaphore(%run_scoped3A_74 : memref<!tpu.dma_semaphore, #tpu.memory_space<semaphore_mem>>) src(%arg7 : memref<125x128xf32, #tpu.memory_space<vmem>>) dst(%dma_wait3A_82 : memref<125x128xf32, #tpu.memory_space<vmem_shared>>)
      tpu.yield
    }) : () -> ()
    %mul3A_31 = arith.constant 640 : i32
    %mul3A_32 = arith.muli %arg1, %mul3A_31 : i32
    %add3A_33 = arith.constant 640 : i32
    %add3A_34 = arith.addi %mul3A_32, %add3A_33 : i32
    %sub3A = arith.constant 15 : i32
    %sub3A_35 = arith.subi %add3A_34, %sub3A : i32
    "tpu.region"() ({
      %run_scoped3A_74 = tpu.sem_alloc : memref<!tpu.dma_semaphore, #tpu.memory_space<semaphore_mem>>
      %dma_start3A_75 = arith.constant 0 : i32
      %dma_start3A_76 = arith.constant 0 : i32
      %dma_start3A_77 = tpu.memref_slice %arg7[%dma_start3A_75, %dma_start3A_76] : memref<125x128xf32, #tpu.memory_space<vmem>> -> memref<15x128xf32, #tpu.memory_space<vmem>>
      %dma_start3A_78 = arith.constant 0 : i32
      %dma_start3A_79 = tpu.memref_slice %arg9[%sub3A_35, %dma_start3A_78] : memref<10240x128xf32, #tpu.memory_space<vmem_shared>> -> memref<15x128xf32, #tpu.memory_space<vmem_shared>>
      %dma_start3A_80 = arith.constant 0 : i32
      %dma_start3A_81 = tpu.memref_slice %arg9[%sub3A_35, %dma_start3A_80] : memref<10240x128xf32, #tpu.memory_space<vmem_shared>> -> memref<15x128xf32, #tpu.memory_space<vmem_shared>>
      %dma_start3A_82 = arith.constant 0 : i32
      %dma_start3A_83 = arith.constant 0 : i32
      %dma_start3A_84 = tpu.memref_slice %arg7[%dma_start3A_82, %dma_start3A_83] : memref<125x128xf32, #tpu.memory_space<vmem>> -> memref<15x128xf32, #tpu.memory_space<vmem>>
      tpu.enqueue_dma source(%dma_start3A_84 : memref<15x128xf32, #tpu.memory_space<vmem>>) target(%dma_start3A_81 : memref<15x128xf32, #tpu.memory_space<vmem_shared>>) target_semaphore(%run_scoped3A_74 : memref<!tpu.dma_semaphore, #tpu.memory_space<semaphore_mem>>)
      %dma_wait3A_85 = arith.constant 0 : i32
      %dma_wait3A_86 = arith.constant 0 : i32
      %dma_wait3A_87 = tpu.memref_slice %arg7[%dma_wait3A_85, %dma_wait3A_86] : memref<125x128xf32, #tpu.memory_space<vmem>> -> memref<15x128xf32, #tpu.memory_space<vmem>>
      %dma_wait3A_88 = arith.constant 0 : i32
      %dma_wait3A_89 = tpu.memref_slice %arg9[%sub3A_35, %dma_wait3A_88] : memref<10240x128xf32, #tpu.memory_space<vmem_shared>> -> memref<15x128xf32, #tpu.memory_space<vmem_shared>>
      %dma_wait3A_90 = arith.constant 0 : i32
      %dma_wait3A_91 = tpu.memref_slice %arg9[%sub3A_35, %dma_wait3A_90] : memref<10240x128xf32, #tpu.memory_space<vmem_shared>> -> memref<15x128xf32, #tpu.memory_space<vmem_shared>>
      %dma_wait3A_92 = arith.constant 0 : i32
      %dma_wait3A_93 = arith.constant 0 : i32
      %dma_wait3A_94 = tpu.memref_slice %arg7[%dma_wait3A_92, %dma_wait3A_93] : memref<125x128xf32, #tpu.memory_space<vmem>> -> memref<15x128xf32, #tpu.memory_space<vmem>>
      tpu.wait_dma2 semaphore(%run_scoped3A_74 : memref<!tpu.dma_semaphore, #tpu.memory_space<semaphore_mem>>) src(%dma_wait3A_94 : memref<15x128xf32, #tpu.memory_space<vmem>>) dst(%dma_wait3A_91 : memref<15x128xf32, #tpu.memory_space<vmem_shared>>)
      tpu.yield
    }) : () -> ()
    %dma_start3A = arith.constant 0 : i32
    %dma_start3A_36 = arith.constant 0 : i32
    %dma_start3A_37 = tpu.memref_slice %arg5[%dma_start3A, %dma_start3A_36] : memref<40x125xi32, #tpu.memory_space<vmem>> -> memref<1x125xi32, #tpu.memory_space<vmem>>
    %dma_start3A_38 = tpu.memref_squeeze %dma_start3A_37 : memref<1x125xi32, #tpu.memory_space<vmem>> -> memref<125xi32, #tpu.memory_space<vmem>>
    %dma_start3A_39 = arith.constant 0 : i32
    %dma_start3A_40 = arith.constant 0 : i32
    %dma_start3A_41 = tpu.memref_slice %arg2[%dma_start3A_39, %dma_start3A_40] : memref<10000x128xf32, #tpu.memory_space<hbm>> -> memref<10000x128xf32, #tpu.memory_space<hbm>>
    tpu.enqueue_indirect_dma source(%dma_start3A_41 : memref<10000x128xf32, #tpu.memory_space<hbm>>) target(%arg7 : memref<125x128xf32, #tpu.memory_space<vmem>>) offsets(%dma_start3A_38 : memref<125xi32, #tpu.memory_space<vmem>>) semaphore(%arg10 : memref<!tpu.dma_semaphore, #tpu.memory_space<semaphore_mem>>)
    %dma_start3A_42 = arith.constant 1 : i32
    %dma_start3A_43 = arith.constant 0 : i32
    %dma_start3A_44 = tpu.memref_slice %arg5[%dma_start3A_42, %dma_start3A_43] : memref<40x125xi32, #tpu.memory_space<vmem>> -> memref<1x125xi32, #tpu.memory_space<vmem>>
    %dma_start3A_45 = tpu.memref_squeeze %dma_start3A_44 : memref<1x125xi32, #tpu.memory_space<vmem>> -> memref<125xi32, #tpu.memory_space<vmem>>
    %dma_start3A_46 = arith.constant 0 : i32
    %dma_start3A_47 = arith.constant 0 : i32
    %dma_start3A_48 = tpu.memref_slice %arg2[%dma_start3A_46, %dma_start3A_47] : memref<10000x128xf32, #tpu.memory_space<hbm>> -> memref<10000x128xf32, #tpu.memory_space<hbm>>
    tpu.enqueue_indirect_dma source(%dma_start3A_48 : memref<10000x128xf32, #tpu.memory_space<hbm>>) target(%arg8 : memref<125x128xf32, #tpu.memory_space<vmem>>) offsets(%dma_start3A_45 : memref<125xi32, #tpu.memory_space<vmem>>) semaphore(%arg11 : memref<!tpu.dma_semaphore, #tpu.memory_space<semaphore_mem>>)
    %barrier3A = arith.constant 0 : index
    tpu.barrier barrier_id(%barrier3A)
    %scan3A_49 = arith.constant 0 : i32
    %scan3A_50 = arith.constant 19 : i32
    %scan3A_51 = arith.addi %scan3A_49, %scan3A_50 : i32
    %scan3A_52 = arith.constant 1 : i32
    scf.for %scan3A_74 = %scan3A_49 to %scan3A_51 step %scan3A_52  : i32 {
      %mul3A_75 = arith.constant 1 : i32
      %mul3A_76 = arith.muli %scan3A_74, %mul3A_75 : i32
      %add3A_77 = arith.constant 0 : i32
      %add3A_78 = arith.addi %add3A_77, %mul3A_76 : i32
      %mul3A_79 = arith.constant 2 : i32
      %mul3A_80 = arith.muli %add3A_78, %mul3A_79 : i32
      %dma_wait3A_81 = arith.constant 0 : i32
      %dma_wait3A_82 = tpu.memref_slice %arg5[%mul3A_80, %dma_wait3A_81] : memref<40x125xi32, #tpu.memory_space<vmem>> -> memref<1x125xi32, #tpu.memory_space<vmem>>
      %dma_wait3A_83 = tpu.memref_squeeze %dma_wait3A_82 : memref<1x125xi32, #tpu.memory_space<vmem>> -> memref<125xi32, #tpu.memory_space<vmem>>
      %dma_wait3A_84 = arith.constant 0 : i32
      %dma_wait3A_85 = arith.constant 0 : i32
      %dma_wait3A_86 = tpu.memref_slice %arg2[%dma_wait3A_84, %dma_wait3A_85] : memref<10000x128xf32, #tpu.memory_space<hbm>> -> memref<10000x128xf32, #tpu.memory_space<hbm>>
      tpu.wait_indirect_dma semaphore(%arg10 : memref<!tpu.dma_semaphore, #tpu.memory_space<semaphore_mem>>) src(%dma_wait3A_86 : memref<10000x128xf32, #tpu.memory_space<hbm>>) dst(%arg7 : memref<125x128xf32, #tpu.memory_space<vmem>>)
      "tpu.region"() ({
        %run_scoped3A_113 = tpu.sem_alloc : memref<!tpu.dma_semaphore, #tpu.memory_space<semaphore_mem>>
        %dma_start3A_114 = arith.constant 0 : i32
        %dma_start3A_115 = tpu.memref_slice %arg6[%mul3A_80, %dma_start3A_114] : memref<40x125xi32, #tpu.memory_space<vmem>> -> memref<1x125xi32, #tpu.memory_space<vmem>>
        %dma_start3A_116 = tpu.memref_squeeze %dma_start3A_115 : memref<1x125xi32, #tpu.memory_space<vmem>> -> memref<125xi32, #tpu.memory_space<vmem>>
        %dma_start3A_117 = arith.constant 0 : i32
        %dma_start3A_118 = arith.constant 0 : i32
        %dma_start3A_119 = tpu.memref_slice %arg9[%dma_start3A_117, %dma_start3A_118] : memref<10240x128xf32, #tpu.memory_space<vmem_shared>> -> memref<10240x128xf32, #tpu.memory_space<vmem_shared>>
        tpu.enqueue_indirect_dma source(%arg7 : memref<125x128xf32, #tpu.memory_space<vmem>>) target(%dma_start3A_119 : memref<10240x128xf32, #tpu.memory_space<vmem_shared>>) offsets(%dma_start3A_116 : memref<125xi32, #tpu.memory_space<vmem>>) semaphore(%run_scoped3A_113 : memref<!tpu.dma_semaphore, #tpu.memory_space<semaphore_mem>>) {add = true}
        %dma_wait3A_120 = arith.constant 0 : i32
        %dma_wait3A_121 = tpu.memref_slice %arg6[%mul3A_80, %dma_wait3A_120] : memref<40x125xi32, #tpu.memory_space<vmem>> -> memref<1x125xi32, #tpu.memory_space<vmem>>
        %dma_wait3A_122 = tpu.memref_squeeze %dma_wait3A_121 : memref<1x125xi32, #tpu.memory_space<vmem>> -> memref<125xi32, #tpu.memory_space<vmem>>
        %dma_wait3A_123 = arith.constant 0 : i32
        %dma_wait3A_124 = arith.constant 0 : i32
        %dma_wait3A_125 = tpu.memref_slice %arg9[%dma_wait3A_123, %dma_wait3A_124] : memref<10240x128xf32, #tpu.memory_space<vmem_shared>> -> memref<10240x128xf32, #tpu.memory_space<vmem_shared>>
        tpu.wait_indirect_dma semaphore(%run_scoped3A_113 : memref<!tpu.dma_semaphore, #tpu.memory_space<semaphore_mem>>) src(%arg7 : memref<125x128xf32, #tpu.memory_space<vmem>>) dst(%dma_wait3A_125 : memref<10240x128xf32, #tpu.memory_space<vmem_shared>>)
        tpu.yield
      }) : () -> ()
      %add3A_87 = arith.constant 2 : i32
      %add3A_88 = arith.addi %mul3A_80, %add3A_87 : i32
      %dma_start3A_89 = arith.constant 0 : i32
      %dma_start3A_90 = tpu.memref_slice %arg5[%add3A_88, %dma_start3A_89] : memref<40x125xi32, #tpu.memory_space<vmem>> -> memref<1x125xi32, #tpu.memory_space<vmem>>
      %dma_start3A_91 = tpu.memref_squeeze %dma_start3A_90 : memref<1x125xi32, #tpu.memory_space<vmem>> -> memref<125xi32, #tpu.memory_space<vmem>>
      %dma_start3A_92 = arith.constant 0 : i32
      %dma_start3A_93 = arith.constant 0 : i32
      %dma_start3A_94 = tpu.memref_slice %arg2[%dma_start3A_92, %dma_start3A_93] : memref<10000x128xf32, #tpu.memory_space<hbm>> -> memref<10000x128xf32, #tpu.memory_space<hbm>>
      tpu.enqueue_indirect_dma source(%dma_start3A_94 : memref<10000x128xf32, #tpu.memory_space<hbm>>) target(%arg7 : memref<125x128xf32, #tpu.memory_space<vmem>>) offsets(%dma_start3A_91 : memref<125xi32, #tpu.memory_space<vmem>>) semaphore(%arg10 : memref<!tpu.dma_semaphore, #tpu.memory_space<semaphore_mem>>)
      %add3A_95 = arith.constant 1 : i32
      %add3A_96 = arith.addi %mul3A_80, %add3A_95 : i32
      %dma_wait3A_97 = arith.constant 0 : i32
      %dma_wait3A_98 = tpu.memref_slice %arg5[%add3A_96, %dma_wait3A_97] : memref<40x125xi32, #tpu.memory_space<vmem>> -> memref<1x125xi32, #tpu.memory_space<vmem>>
      %dma_wait3A_99 = tpu.memref_squeeze %dma_wait3A_98 : memref<1x125xi32, #tpu.memory_space<vmem>> -> memref<125xi32, #tpu.memory_space<vmem>>
      %dma_wait3A_100 = arith.constant 0 : i32
      %dma_wait3A_101 = arith.constant 0 : i32
      %dma_wait3A_102 = tpu.memref_slice %arg2[%dma_wait3A_100, %dma_wait3A_101] : memref<10000x128xf32, #tpu.memory_space<hbm>> -> memref<10000x128xf32, #tpu.memory_space<hbm>>
      tpu.wait_indirect_dma semaphore(%arg11 : memref<!tpu.dma_semaphore, #tpu.memory_space<semaphore_mem>>) src(%dma_wait3A_102 : memref<10000x128xf32, #tpu.memory_space<hbm>>) dst(%arg8 : memref<125x128xf32, #tpu.memory_space<vmem>>)
      %add3A_103 = arith.constant 1 : i32
      %add3A_104 = arith.addi %mul3A_80, %add3A_103 : i32
      "tpu.region"() ({
        %run_scoped3A_113 = tpu.sem_alloc : memref<!tpu.dma_semaphore, #tpu.memory_space<semaphore_mem>>
        %dma_start3A_114 = arith.constant 0 : i32
        %dma_start3A_115 = tpu.memref_slice %arg6[%add3A_104, %dma_start3A_114] : memref<40x125xi32, #tpu.memory_space<vmem>> -> memref<1x125xi32, #tpu.memory_space<vmem>>
        %dma_start3A_116 = tpu.memref_squeeze %dma_start3A_115 : memref<1x125xi32, #tpu.memory_space<vmem>> -> memref<125xi32, #tpu.memory_space<vmem>>
        %dma_start3A_117 = arith.constant 0 : i32
        %dma_start3A_118 = arith.constant 0 : i32
        %dma_start3A_119 = tpu.memref_slice %arg9[%dma_start3A_117, %dma_start3A_118] : memref<10240x128xf32, #tpu.memory_space<vmem_shared>> -> memref<10240x128xf32, #tpu.memory_space<vmem_shared>>
        tpu.enqueue_indirect_dma source(%arg8 : memref<125x128xf32, #tpu.memory_space<vmem>>) target(%dma_start3A_119 : memref<10240x128xf32, #tpu.memory_space<vmem_shared>>) offsets(%dma_start3A_116 : memref<125xi32, #tpu.memory_space<vmem>>) semaphore(%run_scoped3A_113 : memref<!tpu.dma_semaphore, #tpu.memory_space<semaphore_mem>>) {add = true}
        %dma_wait3A_120 = arith.constant 0 : i32
        %dma_wait3A_121 = tpu.memref_slice %arg6[%add3A_104, %dma_wait3A_120] : memref<40x125xi32, #tpu.memory_space<vmem>> -> memref<1x125xi32, #tpu.memory_space<vmem>>
        %dma_wait3A_122 = tpu.memref_squeeze %dma_wait3A_121 : memref<1x125xi32, #tpu.memory_space<vmem>> -> memref<125xi32, #tpu.memory_space<vmem>>
        %dma_wait3A_123 = arith.constant 0 : i32
        %dma_wait3A_124 = arith.constant 0 : i32
        %dma_wait3A_125 = tpu.memref_slice %arg9[%dma_wait3A_123, %dma_wait3A_124] : memref<10240x128xf32, #tpu.memory_space<vmem_shared>> -> memref<10240x128xf32, #tpu.memory_space<vmem_shared>>
        tpu.wait_indirect_dma semaphore(%run_scoped3A_113 : memref<!tpu.dma_semaphore, #tpu.memory_space<semaphore_mem>>) src(%arg8 : memref<125x128xf32, #tpu.memory_space<vmem>>) dst(%dma_wait3A_125 : memref<10240x128xf32, #tpu.memory_space<vmem_shared>>)
        tpu.yield
      }) : () -> ()
      %add3A_105 = arith.constant 3 : i32
      %add3A_106 = arith.addi %mul3A_80, %add3A_105 : i32
      %dma_start3A_107 = arith.constant 0 : i32
      %dma_start3A_108 = tpu.memref_slice %arg5[%add3A_106, %dma_start3A_107] : memref<40x125xi32, #tpu.memory_space<vmem>> -> memref<1x125xi32, #tpu.memory_space<vmem>>
      %dma_start3A_109 = tpu.memref_squeeze %dma_start3A_108 : memref<1x125xi32, #tpu.memory_space<vmem>> -> memref<125xi32, #tpu.memory_space<vmem>>
      %dma_start3A_110 = arith.constant 0 : i32
      %dma_start3A_111 = arith.constant 0 : i32
      %dma_start3A_112 = tpu.memref_slice %arg2[%dma_start3A_110, %dma_start3A_111] : memref<10000x128xf32, #tpu.memory_space<hbm>> -> memref<10000x128xf32, #tpu.memory_space<hbm>>
      tpu.enqueue_indirect_dma source(%dma_start3A_112 : memref<10000x128xf32, #tpu.memory_space<hbm>>) target(%arg8 : memref<125x128xf32, #tpu.memory_space<vmem>>) offsets(%dma_start3A_109 : memref<125xi32, #tpu.memory_space<vmem>>) semaphore(%arg11 : memref<!tpu.dma_semaphore, #tpu.memory_space<semaphore_mem>>)
    }
    %scan3A_53 = arith.constant 19 : i32
    %dma_wait3A = arith.constant 38 : i32
    %dma_wait3A_54 = arith.constant 0 : i32
    %dma_wait3A_55 = tpu.memref_slice %arg5[%dma_wait3A, %dma_wait3A_54] : memref<40x125xi32, #tpu.memory_space<vmem>> -> memref<1x125xi32, #tpu.memory_space<vmem>>
    %dma_wait3A_56 = tpu.memref_squeeze %dma_wait3A_55 : memref<1x125xi32, #tpu.memory_space<vmem>> -> memref<125xi32, #tpu.memory_space<vmem>>
    %dma_wait3A_57 = arith.constant 0 : i32
    %dma_wait3A_58 = arith.constant 0 : i32
    %dma_wait3A_59 = tpu.memref_slice %arg2[%dma_wait3A_57, %dma_wait3A_58] : memref<10000x128xf32, #tpu.memory_space<hbm>> -> memref<10000x128xf32, #tpu.memory_space<hbm>>
    tpu.wait_indirect_dma semaphore(%arg10 : memref<!tpu.dma_semaphore, #tpu.memory_space<semaphore_mem>>) src(%dma_wait3A_59 : memref<10000x128xf32, #tpu.memory_space<hbm>>) dst(%arg7 : memref<125x128xf32, #tpu.memory_space<vmem>>)
    %run_scoped3A_60 = arith.constant 38 : i32
    "tpu.region"() ({
      %run_scoped3A_74 = tpu.sem_alloc : memref<!tpu.dma_semaphore, #tpu.memory_space<semaphore_mem>>
      %dma_start3A_75 = arith.constant 0 : i32
      %dma_start3A_76 = tpu.memref_slice %arg6[%run_scoped3A_60, %dma_start3A_75] : memref<40x125xi32, #tpu.memory_space<vmem>> -> memref<1x125xi32, #tpu.memory_space<vmem>>
      %dma_start3A_77 = tpu.memref_squeeze %dma_start3A_76 : memref<1x125xi32, #tpu.memory_space<vmem>> -> memref<125xi32, #tpu.memory_space<vmem>>
      %dma_start3A_78 = arith.constant 0 : i32
      %dma_start3A_79 = arith.constant 0 : i32
      %dma_start3A_80 = tpu.memref_slice %arg9[%dma_start3A_78, %dma_start3A_79] : memref<10240x128xf32, #tpu.memory_space<vmem_shared>> -> memref<10240x128xf32, #tpu.memory_space<vmem_shared>>
      tpu.enqueue_indirect_dma source(%arg7 : memref<125x128xf32, #tpu.memory_space<vmem>>) target(%dma_start3A_80 : memref<10240x128xf32, #tpu.memory_space<vmem_shared>>) offsets(%dma_start3A_77 : memref<125xi32, #tpu.memory_space<vmem>>) semaphore(%run_scoped3A_74 : memref<!tpu.dma_semaphore, #tpu.memory_space<semaphore_mem>>) {add = true}
      %dma_wait3A_81 = arith.constant 0 : i32
      %dma_wait3A_82 = tpu.memref_slice %arg6[%run_scoped3A_60, %dma_wait3A_81] : memref<40x125xi32, #tpu.memory_space<vmem>> -> memref<1x125xi32, #tpu.memory_space<vmem>>
      %dma_wait3A_83 = tpu.memref_squeeze %dma_wait3A_82 : memref<1x125xi32, #tpu.memory_space<vmem>> -> memref<125xi32, #tpu.memory_space<vmem>>
      %dma_wait3A_84 = arith.constant 0 : i32
      %dma_wait3A_85 = arith.constant 0 : i32
      %dma_wait3A_86 = tpu.memref_slice %arg9[%dma_wait3A_84, %dma_wait3A_85] : memref<10240x128xf32, #tpu.memory_space<vmem_shared>> -> memref<10240x128xf32, #tpu.memory_space<vmem_shared>>
      tpu.wait_indirect_dma semaphore(%run_scoped3A_74 : memref<!tpu.dma_semaphore, #tpu.memory_space<semaphore_mem>>) src(%arg7 : memref<125x128xf32, #tpu.memory_space<vmem>>) dst(%dma_wait3A_86 : memref<10240x128xf32, #tpu.memory_space<vmem_shared>>)
      tpu.yield
    }) : () -> ()
    %dma_wait3A_61 = arith.constant 39 : i32
    %dma_wait3A_62 = arith.constant 0 : i32
    %dma_wait3A_63 = tpu.memref_slice %arg5[%dma_wait3A_61, %dma_wait3A_62] : memref<40x125xi32, #tpu.memory_space<vmem>> -> memref<1x125xi32, #tpu.memory_space<vmem>>
    %dma_wait3A_64 = tpu.memref_squeeze %dma_wait3A_63 : memref<1x125xi32, #tpu.memory_space<vmem>> -> memref<125xi32, #tpu.memory_space<vmem>>
    %dma_wait3A_65 = arith.constant 0 : i32
    %dma_wait3A_66 = arith.constant 0 : i32
    %dma_wait3A_67 = tpu.memref_slice %arg2[%dma_wait3A_65, %dma_wait3A_66] : memref<10000x128xf32, #tpu.memory_space<hbm>> -> memref<10000x128xf32, #tpu.memory_space<hbm>>
    tpu.wait_indirect_dma semaphore(%arg11 : memref<!tpu.dma_semaphore, #tpu.memory_space<semaphore_mem>>) src(%dma_wait3A_67 : memref<10000x128xf32, #tpu.memory_space<hbm>>) dst(%arg8 : memref<125x128xf32, #tpu.memory_space<vmem>>)
    %run_scoped3A_68 = arith.constant 39 : i32
    "tpu.region"() ({
      %run_scoped3A_74 = tpu.sem_alloc : memref<!tpu.dma_semaphore, #tpu.memory_space<semaphore_mem>>
      %dma_start3A_75 = arith.constant 0 : i32
      %dma_start3A_76 = tpu.memref_slice %arg6[%run_scoped3A_68, %dma_start3A_75] : memref<40x125xi32, #tpu.memory_space<vmem>> -> memref<1x125xi32, #tpu.memory_space<vmem>>
      %dma_start3A_77 = tpu.memref_squeeze %dma_start3A_76 : memref<1x125xi32, #tpu.memory_space<vmem>> -> memref<125xi32, #tpu.memory_space<vmem>>
      %dma_start3A_78 = arith.constant 0 : i32
      %dma_start3A_79 = arith.constant 0 : i32
      %dma_start3A_80 = tpu.memref_slice %arg9[%dma_start3A_78, %dma_start3A_79] : memref<10240x128xf32, #tpu.memory_space<vmem_shared>> -> memref<10240x128xf32, #tpu.memory_space<vmem_shared>>
      tpu.enqueue_indirect_dma source(%arg8 : memref<125x128xf32, #tpu.memory_space<vmem>>) target(%dma_start3A_80 : memref<10240x128xf32, #tpu.memory_space<vmem_shared>>) offsets(%dma_start3A_77 : memref<125xi32, #tpu.memory_space<vmem>>) semaphore(%run_scoped3A_74 : memref<!tpu.dma_semaphore, #tpu.memory_space<semaphore_mem>>) {add = true}
      %dma_wait3A_81 = arith.constant 0 : i32
      %dma_wait3A_82 = tpu.memref_slice %arg6[%run_scoped3A_68, %dma_wait3A_81] : memref<40x125xi32, #tpu.memory_space<vmem>> -> memref<1x125xi32, #tpu.memory_space<vmem>>
      %dma_wait3A_83 = tpu.memref_squeeze %dma_wait3A_82 : memref<1x125xi32, #tpu.memory_space<vmem>> -> memref<125xi32, #tpu.memory_space<vmem>>
      %dma_wait3A_84 = arith.constant 0 : i32
      %dma_wait3A_85 = arith.constant 0 : i32
      %dma_wait3A_86 = tpu.memref_slice %arg9[%dma_wait3A_84, %dma_wait3A_85] : memref<10240x128xf32, #tpu.memory_space<vmem_shared>> -> memref<10240x128xf32, #tpu.memory_space<vmem_shared>>
      tpu.wait_indirect_dma semaphore(%run_scoped3A_74 : memref<!tpu.dma_semaphore, #tpu.memory_space<semaphore_mem>>) src(%arg8 : memref<125x128xf32, #tpu.memory_space<vmem>>) dst(%dma_wait3A_86 : memref<10240x128xf32, #tpu.memory_space<vmem_shared>>)
      tpu.yield
    }) : () -> ()
    %barrier3A_69 = arith.constant 0 : index
    tpu.barrier barrier_id(%barrier3A_69)
    %mul3A_70 = arith.constant 640 : i32
    %mul3A_71 = arith.muli %arg1, %mul3A_70 : i32
    %mul3A_72 = arith.constant 640 : i32
    %mul3A_73 = arith.muli %arg1, %mul3A_72 : i32
    "tpu.region"() ({
      %run_scoped3A_74 = tpu.sem_alloc : memref<!tpu.dma_semaphore, #tpu.memory_space<semaphore_mem>>
      %dma_start3A_75 = arith.constant 0 : i32
      %dma_start3A_76 = tpu.memref_slice %arg4[%arg0, %mul3A_73, %dma_start3A_75] : memref<2x10240x128xf32, #tpu.memory_space<hbm>> -> memref<1x640x128xf32, #tpu.memory_space<hbm>>
      %dma_start3A_77 = tpu.memref_squeeze %dma_start3A_76 : memref<1x640x128xf32, #tpu.memory_space<hbm>> -> memref<640x128xf32, #tpu.memory_space<hbm>>
      %dma_start3A_78 = arith.constant 0 : i32
      %dma_start3A_79 = tpu.memref_slice %arg9[%mul3A_71, %dma_start3A_78] : memref<10240x128xf32, #tpu.memory_space<vmem_shared>> -> memref<640x128xf32, #tpu.memory_space<vmem_shared>>
      tpu.enqueue_dma source(%dma_start3A_79 : memref<640x128xf32, #tpu.memory_space<vmem_shared>>) target(%dma_start3A_77 : memref<640x128xf32, #tpu.memory_space<hbm>>) target_semaphore(%run_scoped3A_74 : memref<!tpu.dma_semaphore, #tpu.memory_space<semaphore_mem>>)
      %dma_wait3A_80 = arith.constant 0 : i32
      %dma_wait3A_81 = tpu.memref_slice %arg4[%arg0, %mul3A_73, %dma_wait3A_80] : memref<2x10240x128xf32, #tpu.memory_space<hbm>> -> memref<1x640x128xf32, #tpu.memory_space<hbm>>
      %dma_wait3A_82 = tpu.memref_squeeze %dma_wait3A_81 : memref<1x640x128xf32, #tpu.memory_space<hbm>> -> memref<640x128xf32, #tpu.memory_space<hbm>>
      %dma_wait3A_83 = arith.constant 0 : i32
      %dma_wait3A_84 = tpu.memref_slice %arg9[%mul3A_71, %dma_wait3A_83] : memref<10240x128xf32, #tpu.memory_space<vmem_shared>> -> memref<640x128xf32, #tpu.memory_space<vmem_shared>>
      tpu.wait_dma2 semaphore(%run_scoped3A_74 : memref<!tpu.dma_semaphore, #tpu.memory_space<semaphore_mem>>) src(%dma_wait3A_84 : memref<640x128xf32, #tpu.memory_space<vmem_shared>>) dst(%dma_wait3A_82 : memref<640x128xf32, #tpu.memory_space<hbm>>)
      tpu.yield
    }) : () -> ()
    return
  }
}

#map = affine_map<(d0, d1) -> (0, 0, 0)>
#map1 = affine_map<(d0, d1) -> (0, 0)>
module attributes {stable_mosaic.version = 14 : i64} {
  func.func @_deg(%arg0: i32, %arg1: i32, %arg2: memref<2x1280x125xi32, #tpu.memory_space<hbm>>, %arg3: memref<2x10240xf32, #tpu.memory_space<hbm>>, %arg4: memref<40x125xi32, #tpu.memory_space<vmem>>, %arg5: memref<10240xf32, #tpu.memory_space<vmem>>, %arg6: memref<16x640xf32, #tpu.memory_space<vmem>>, %arg7: memref<640xf32, #tpu.memory_space<vmem>>, %arg8: memref<16x10240xf32, #tpu.memory_space<vmem_shared>>) attributes {dimension_semantics = [#tpu.dimension_semantics<core_parallel>, #tpu.dimension_semantics<subcore_parallel>], iteration_bounds = array<i64: 2, 16>, scalar_prefetch = 0 : i64, scratch_operands = 5 : i64, tpu.core_type = #tpu.core_type<sc_vector_subcore>, window_params = [{transform_indices = #map}, {transform_indices = #map1}]} {
    %mul3A = arith.constant 16 : i32
    %mul3A_0 = arith.muli %arg0, %mul3A : i32
    %add3A = arith.addi %mul3A_0, %arg1 : i32
    %broadcast_in_dim3A = arith.constant 0.000000e+00 : f32
    %broadcast_in_dim3A_1 = vector.broadcast %broadcast_in_dim3A : f32 to vector<16xf32>
    %broadcast_in_dim3A_2 = arith.constant 1.000000e+00 : f32
    %broadcast_in_dim3A_3 = vector.broadcast %broadcast_in_dim3A_2 : f32 to vector<16xf32>
    %mul3A_4 = arith.constant 40 : i32
    %mul3A_5 = arith.muli %add3A, %mul3A_4 : i32
    %run_scoped3A = arith.constant 1 : i32
    "tpu.region"() ({
      %run_scoped3A_26 = tpu.sem_alloc : memref<!tpu.dma_semaphore, #tpu.memory_space<semaphore_mem>>
      %dma_start3A = arith.constant 0 : i32
      %dma_start3A_27 = tpu.memref_slice %arg2[%run_scoped3A, %mul3A_5, %dma_start3A] : memref<2x1280x125xi32, #tpu.memory_space<hbm>> -> memref<1x40x125xi32, #tpu.memory_space<hbm>>
      %dma_start3A_28 = tpu.memref_squeeze %dma_start3A_27 : memref<1x40x125xi32, #tpu.memory_space<hbm>> -> memref<40x125xi32, #tpu.memory_space<hbm>>
      %dma_start3A_29 = arith.constant 0 : i32
      %dma_start3A_30 = tpu.memref_slice %arg2[%run_scoped3A, %mul3A_5, %dma_start3A_29] : memref<2x1280x125xi32, #tpu.memory_space<hbm>> -> memref<1x40x125xi32, #tpu.memory_space<hbm>>
      %dma_start3A_31 = tpu.memref_squeeze %dma_start3A_30 : memref<1x40x125xi32, #tpu.memory_space<hbm>> -> memref<40x125xi32, #tpu.memory_space<hbm>>
      tpu.enqueue_dma source(%dma_start3A_31 : memref<40x125xi32, #tpu.memory_space<hbm>>) target(%arg4 : memref<40x125xi32, #tpu.memory_space<vmem>>) target_semaphore(%run_scoped3A_26 : memref<!tpu.dma_semaphore, #tpu.memory_space<semaphore_mem>>)
      %dma_wait3A = arith.constant 0 : i32
      %dma_wait3A_32 = tpu.memref_slice %arg2[%run_scoped3A, %mul3A_5, %dma_wait3A] : memref<2x1280x125xi32, #tpu.memory_space<hbm>> -> memref<1x40x125xi32, #tpu.memory_space<hbm>>
      %dma_wait3A_33 = tpu.memref_squeeze %dma_wait3A_32 : memref<1x40x125xi32, #tpu.memory_space<hbm>> -> memref<40x125xi32, #tpu.memory_space<hbm>>
      %dma_wait3A_34 = arith.constant 0 : i32
      %dma_wait3A_35 = tpu.memref_slice %arg2[%run_scoped3A, %mul3A_5, %dma_wait3A_34] : memref<2x1280x125xi32, #tpu.memory_space<hbm>> -> memref<1x40x125xi32, #tpu.memory_space<hbm>>
      %dma_wait3A_36 = tpu.memref_squeeze %dma_wait3A_35 : memref<1x40x125xi32, #tpu.memory_space<hbm>> -> memref<40x125xi32, #tpu.memory_space<hbm>>
      tpu.wait_dma2 semaphore(%run_scoped3A_26 : memref<!tpu.dma_semaphore, #tpu.memory_space<semaphore_mem>>) src(%dma_wait3A_36 : memref<40x125xi32, #tpu.memory_space<hbm>>) dst(%arg4 : memref<40x125xi32, #tpu.memory_space<vmem>>)
      tpu.yield
    }) : () -> ()
    %scan3A = arith.constant 0 : i32
    %scan3A_6 = arith.constant 640 : i32
    %scan3A_7 = arith.addi %scan3A, %scan3A_6 : i32
    %scan3A_8 = arith.constant 1 : i32
    scf.for %scan3A_26 = %scan3A to %scan3A_7 step %scan3A_8  : i32 {
      %mul3A_27 = arith.constant 1 : i32
      %mul3A_28 = arith.muli %scan3A_26, %mul3A_27 : i32
      %add3A_29 = arith.constant 0 : i32
      %add3A_30 = arith.addi %add3A_29, %mul3A_28 : i32
      %mul3A_31 = arith.constant 16 : i32
      %mul3A_32 = arith.muli %add3A_30, %mul3A_31 : i32
      %swap3A = arith.index_cast %mul3A_32 : i32 to index
      %swap3A_33 = tpu.vector_load %arg5[%swap3A] {strides = array<i32>} : memref<10240xf32, #tpu.memory_space<vmem>>, vector<16xf32>,
      tpu.vector_store %arg5[%swap3A], %broadcast_in_dim3A_1 {strides = array<i32>} : memref<10240xf32, #tpu.memory_space<vmem>>, vector<16xf32>,
    }
    %scan3A_9 = arith.constant 640 : i32
    %iota3A = tpu.iota {dimensions = array<i32: 0>} : vector<16xi32>
    %ge3A = arith.constant 3 : i32
    %ge3A_10 = vector.broadcast %ge3A : i32 to vector<16xi32>
    %ge3A_11 = arith.cmpi sge, %iota3A, %ge3A_10 : vector<16xi32>
    %scan3A_12 = arith.constant 0 : i32
    %scan3A_13 = arith.constant 40 : i32
    %scan3A_14 = arith.addi %scan3A_12, %scan3A_13 : i32
    %scan3A_15 = arith.constant 1 : i32
    scf.for %scan3A_26 = %scan3A_12 to %scan3A_14 step %scan3A_15  : i32 {
      %mul3A_27 = arith.constant 1 : i32
      %mul3A_28 = arith.muli %scan3A_26, %mul3A_27 : i32
      %add3A_29 = arith.constant 0 : i32
      %add3A_30 = arith.addi %add3A_29, %mul3A_28 : i32
      %get3A = arith.index_cast %add3A_30 : i32 to index
      %get3A_31 = arith.constant 0 : index
      %get3A_32 = tpu.vector_load %arg4[%get3A, %get3A_31] {strides = array<i32>} : memref<40x125xi32, #tpu.memory_space<vmem>>, vector<16xi32>,
      tpu.vector_store_idx %arg5[%get3A_32], %broadcast_in_dim3A_3 {add = true} : memref<10240xf32, #tpu.memory_space<vmem>>[vector<16xi32>], vector<16xf32>,
      %get3A_33 = arith.index_cast %add3A_30 : i32 to index
      %get3A_34 = arith.constant 16 : index
      %get3A_35 = tpu.vector_load %arg4[%get3A_33, %get3A_34] {strides = array<i32>} : memref<40x125xi32, #tpu.memory_space<vmem>>, vector<16xi32>,
      tpu.vector_store_idx %arg5[%get3A_35], %broadcast_in_dim3A_3 {add = true} : memref<10240xf32, #tpu.memory_space<vmem>>[vector<16xi32>], vector<16xf32>,
      %get3A_36 = arith.index_cast %add3A_30 : i32 to index
      %get3A_37 = arith.constant 32 : index
      %get3A_38 = tpu.vector_load %arg4[%get3A_36, %get3A_37] {strides = array<i32>} : memref<40x125xi32, #tpu.memory_space<vmem>>, vector<16xi32>,
      tpu.vector_store_idx %arg5[%get3A_38], %broadcast_in_dim3A_3 {add = true} : memref<10240xf32, #tpu.memory_space<vmem>>[vector<16xi32>], vector<16xf32>,
      %get3A_39 = arith.index_cast %add3A_30 : i32 to index
      %get3A_40 = arith.constant 48 : index
      %get3A_41 = tpu.vector_load %arg4[%get3A_39, %get3A_40] {strides = array<i32>} : memref<40x125xi32, #tpu.memory_space<vmem>>, vector<16xi32>,
      tpu.vector_store_idx %arg5[%get3A_41], %broadcast_in_dim3A_3 {add = true} : memref<10240xf32, #tpu.memory_space<vmem>>[vector<16xi32>], vector<16xf32>,
      %get3A_42 = arith.index_cast %add3A_30 : i32 to index
      %get3A_43 = arith.constant 64 : index
      %get3A_44 = tpu.vector_load %arg4[%get3A_42, %get3A_43] {strides = array<i32>} : memref<40x125xi32, #tpu.memory_space<vmem>>, vector<16xi32>,
      tpu.vector_store_idx %arg5[%get3A_44], %broadcast_in_dim3A_3 {add = true} : memref<10240xf32, #tpu.memory_space<vmem>>[vector<16xi32>], vector<16xf32>,
      %get3A_45 = arith.index_cast %add3A_30 : i32 to index
      %get3A_46 = arith.constant 80 : index
      %get3A_47 = tpu.vector_load %arg4[%get3A_45, %get3A_46] {strides = array<i32>} : memref<40x125xi32, #tpu.memory_space<vmem>>, vector<16xi32>,
      tpu.vector_store_idx %arg5[%get3A_47], %broadcast_in_dim3A_3 {add = true} : memref<10240xf32, #tpu.memory_space<vmem>>[vector<16xi32>], vector<16xf32>,
      %get3A_48 = arith.index_cast %add3A_30 : i32 to index
      %get3A_49 = arith.constant 96 : index
      %get3A_50 = tpu.vector_load %arg4[%get3A_48, %get3A_49] {strides = array<i32>} : memref<40x125xi32, #tpu.memory_space<vmem>>, vector<16xi32>,
      tpu.vector_store_idx %arg5[%get3A_50], %broadcast_in_dim3A_3 {add = true} : memref<10240xf32, #tpu.memory_space<vmem>>[vector<16xi32>], vector<16xf32>,
      %get3A_51 = arith.index_cast %add3A_30 : i32 to index
      %get3A_52 = arith.constant 109 : index
      %get3A_53 = tpu.vector_load %arg4[%get3A_51, %get3A_52] {strides = array<i32>} : memref<40x125xi32, #tpu.memory_space<vmem>>, vector<16xi32>,
      tpu.vector_store_idx %arg5[%get3A_53], %broadcast_in_dim3A_3 masked %ge3A_11 {add = true} : memref<10240xf32, #tpu.memory_space<vmem>>[vector<16xi32>], vector<16xf32>, vector<16xi1>
    }
    %scan3A_16 = arith.constant 40 : i32
    "tpu.region"() ({
      %run_scoped3A_26 = tpu.sem_alloc : memref<!tpu.dma_semaphore, #tpu.memory_space<semaphore_mem>>
      %dma_start3A = arith.constant 0 : i32
      %dma_start3A_27 = tpu.memref_slice %arg8[%arg1, %dma_start3A] : memref<16x10240xf32, #tpu.memory_space<vmem_shared>> -> memref<1x10240xf32, #tpu.memory_space<vmem_shared>>
      %dma_start3A_28 = tpu.memref_squeeze %dma_start3A_27 : memref<1x10240xf32, #tpu.memory_space<vmem_shared>> -> memref<10240xf32, #tpu.memory_space<vmem_shared>>
      %dma_start3A_29 = arith.constant 0 : i32
      %dma_start3A_30 = tpu.memref_slice %arg8[%arg1, %dma_start3A_29] : memref<16x10240xf32, #tpu.memory_space<vmem_shared>> -> memref<1x10240xf32, #tpu.memory_space<vmem_shared>>
      %dma_start3A_31 = tpu.memref_squeeze %dma_start3A_30 : memref<1x10240xf32, #tpu.memory_space<vmem_shared>> -> memref<10240xf32, #tpu.memory_space<vmem_shared>>
      tpu.enqueue_dma source(%arg5 : memref<10240xf32, #tpu.memory_space<vmem>>) target(%dma_start3A_31 : memref<10240xf32, #tpu.memory_space<vmem_shared>>) target_semaphore(%run_scoped3A_26 : memref<!tpu.dma_semaphore, #tpu.memory_space<semaphore_mem>>)
      %dma_wait3A = arith.constant 0 : i32
      %dma_wait3A_32 = tpu.memref_slice %arg8[%arg1, %dma_wait3A] : memref<16x10240xf32, #tpu.memory_space<vmem_shared>> -> memref<1x10240xf32, #tpu.memory_space<vmem_shared>>
      %dma_wait3A_33 = tpu.memref_squeeze %dma_wait3A_32 : memref<1x10240xf32, #tpu.memory_space<vmem_shared>> -> memref<10240xf32, #tpu.memory_space<vmem_shared>>
      %dma_wait3A_34 = arith.constant 0 : i32
      %dma_wait3A_35 = tpu.memref_slice %arg8[%arg1, %dma_wait3A_34] : memref<16x10240xf32, #tpu.memory_space<vmem_shared>> -> memref<1x10240xf32, #tpu.memory_space<vmem_shared>>
      %dma_wait3A_36 = tpu.memref_squeeze %dma_wait3A_35 : memref<1x10240xf32, #tpu.memory_space<vmem_shared>> -> memref<10240xf32, #tpu.memory_space<vmem_shared>>
      tpu.wait_dma2 semaphore(%run_scoped3A_26 : memref<!tpu.dma_semaphore, #tpu.memory_space<semaphore_mem>>) src(%arg5 : memref<10240xf32, #tpu.memory_space<vmem>>) dst(%dma_wait3A_36 : memref<10240xf32, #tpu.memory_space<vmem_shared>>)
      tpu.yield
    }) : () -> ()
    %barrier3A = arith.constant 0 : index
    tpu.barrier barrier_id(%barrier3A)
    %mul3A_17 = arith.constant 640 : i32
    %mul3A_18 = arith.muli %arg1, %mul3A_17 : i32
    "tpu.region"() ({
      %run_scoped3A_26 = tpu.sem_alloc : memref<!tpu.dma_semaphore, #tpu.memory_space<semaphore_mem>>
      %dma_start3A = arith.constant 0 : i32
      %dma_start3A_27 = tpu.memref_slice %arg8[%dma_start3A, %mul3A_18] : memref<16x10240xf32, #tpu.memory_space<vmem_shared>> -> memref<16x640xf32, #tpu.memory_space<vmem_shared>>
      %dma_start3A_28 = arith.constant 0 : i32
      %dma_start3A_29 = tpu.memref_slice %arg8[%dma_start3A_28, %mul3A_18] : memref<16x10240xf32, #tpu.memory_space<vmem_shared>> -> memref<16x640xf32, #tpu.memory_space<vmem_shared>>
      tpu.enqueue_dma source(%dma_start3A_29 : memref<16x640xf32, #tpu.memory_space<vmem_shared>>) target(%arg6 : memref<16x640xf32, #tpu.memory_space<vmem>>) target_semaphore(%run_scoped3A_26 : memref<!tpu.dma_semaphore, #tpu.memory_space<semaphore_mem>>)
      %dma_wait3A = arith.constant 0 : i32
      %dma_wait3A_30 = tpu.memref_slice %arg8[%dma_wait3A, %mul3A_18] : memref<16x10240xf32, #tpu.memory_space<vmem_shared>> -> memref<16x640xf32, #tpu.memory_space<vmem_shared>>
      %dma_wait3A_31 = arith.constant 0 : i32
      %dma_wait3A_32 = tpu.memref_slice %arg8[%dma_wait3A_31, %mul3A_18] : memref<16x10240xf32, #tpu.memory_space<vmem_shared>> -> memref<16x640xf32, #tpu.memory_space<vmem_shared>>
      tpu.wait_dma2 semaphore(%run_scoped3A_26 : memref<!tpu.dma_semaphore, #tpu.memory_space<semaphore_mem>>) src(%dma_wait3A_32 : memref<16x640xf32, #tpu.memory_space<vmem_shared>>) dst(%arg6 : memref<16x640xf32, #tpu.memory_space<vmem>>)
      tpu.yield
    }) : () -> ()
    %scan3A_19 = arith.constant 0 : i32
    %scan3A_20 = arith.constant 40 : i32
    %scan3A_21 = arith.addi %scan3A_19, %scan3A_20 : i32
    %scan3A_22 = arith.constant 1 : i32
    scf.for %scan3A_26 = %scan3A_19 to %scan3A_21 step %scan3A_22  : i32 {
      %mul3A_27 = arith.constant 1 : i32
      %mul3A_28 = arith.muli %scan3A_26, %mul3A_27 : i32
      %add3A_29 = arith.constant 0 : i32
      %add3A_30 = arith.addi %add3A_29, %mul3A_28 : i32
      %mul3A_31 = arith.constant 16 : i32
      %mul3A_32 = arith.muli %add3A_30, %mul3A_31 : i32
      %get3A = arith.constant 0 : i32
      %get3A_33 = arith.index_cast %get3A : i32 to index
      %get3A_34 = arith.index_cast %mul3A_32 : i32 to index
      %get3A_35 = tpu.vector_load %arg6[%get3A_33, %get3A_34] {strides = array<i32>} : memref<16x640xf32, #tpu.memory_space<vmem>>, vector<16xf32>,
      %mul3A_36 = arith.constant 16 : i32
      %mul3A_37 = arith.muli %add3A_30, %mul3A_36 : i32
      %get3A_38 = arith.constant 1 : i32
      %get3A_39 = arith.index_cast %get3A_38 : i32 to index
      %get3A_40 = arith.index_cast %mul3A_37 : i32 to index
      %get3A_41 = tpu.vector_load %arg6[%get3A_39, %get3A_40] {strides = array<i32>} : memref<16x640xf32, #tpu.memory_space<vmem>>, vector<16xf32>,
      %add3A_42 = arith.addf %get3A_35, %get3A_41 : vector<16xf32>
      %mul3A_43 = arith.constant 16 : i32
      %mul3A_44 = arith.muli %add3A_30, %mul3A_43 : i32
      %get3A_45 = arith.constant 2 : i32
      %get3A_46 = arith.index_cast %get3A_45 : i32 to index
      %get3A_47 = arith.index_cast %mul3A_44 : i32 to index
      %get3A_48 = tpu.vector_load %arg6[%get3A_46, %get3A_47] {strides = array<i32>} : memref<16x640xf32, #tpu.memory_space<vmem>>, vector<16xf32>,
      %add3A_49 = arith.addf %add3A_42, %get3A_48 : vector<16xf32>
      %mul3A_50 = arith.constant 16 : i32
      %mul3A_51 = arith.muli %add3A_30, %mul3A_50 : i32
      %get3A_52 = arith.constant 3 : i32
      %get3A_53 = arith.index_cast %get3A_52 : i32 to index
      %get3A_54 = arith.index_cast %mul3A_51 : i32 to index
      %get3A_55 = tpu.vector_load %arg6[%get3A_53, %get3A_54] {strides = array<i32>} : memref<16x640xf32, #tpu.memory_space<vmem>>, vector<16xf32>,
      %add3A_56 = arith.addf %add3A_49, %get3A_55 : vector<16xf32>
      %mul3A_57 = arith.constant 16 : i32
      %mul3A_58 = arith.muli %add3A_30, %mul3A_57 : i32
      %get3A_59 = arith.constant 4 : i32
      %get3A_60 = arith.index_cast %get3A_59 : i32 to index
      %get3A_61 = arith.index_cast %mul3A_58 : i32 to index
      %get3A_62 = tpu.vector_load %arg6[%get3A_60, %get3A_61] {strides = array<i32>} : memref<16x640xf32, #tpu.memory_space<vmem>>, vector<16xf32>,
      %add3A_63 = arith.addf %add3A_56, %get3A_62 : vector<16xf32>
      %mul3A_64 = arith.constant 16 : i32
      %mul3A_65 = arith.muli %add3A_30, %mul3A_64 : i32
      %get3A_66 = arith.constant 5 : i32
      %get3A_67 = arith.index_cast %get3A_66 : i32 to index
      %get3A_68 = arith.index_cast %mul3A_65 : i32 to index
      %get3A_69 = tpu.vector_load %arg6[%get3A_67, %get3A_68] {strides = array<i32>} : memref<16x640xf32, #tpu.memory_space<vmem>>, vector<16xf32>,
      %add3A_70 = arith.addf %add3A_63, %get3A_69 : vector<16xf32>
      %mul3A_71 = arith.constant 16 : i32
      %mul3A_72 = arith.muli %add3A_30, %mul3A_71 : i32
      %get3A_73 = arith.constant 6 : i32
      %get3A_74 = arith.index_cast %get3A_73 : i32 to index
      %get3A_75 = arith.index_cast %mul3A_72 : i32 to index
      %get3A_76 = tpu.vector_load %arg6[%get3A_74, %get3A_75] {strides = array<i32>} : memref<16x640xf32, #tpu.memory_space<vmem>>, vector<16xf32>,
      %add3A_77 = arith.addf %add3A_70, %get3A_76 : vector<16xf32>
      %mul3A_78 = arith.constant 16 : i32
      %mul3A_79 = arith.muli %add3A_30, %mul3A_78 : i32
      %get3A_80 = arith.constant 7 : i32
      %get3A_81 = arith.index_cast %get3A_80 : i32 to index
      %get3A_82 = arith.index_cast %mul3A_79 : i32 to index
      %get3A_83 = tpu.vector_load %arg6[%get3A_81, %get3A_82] {strides = array<i32>} : memref<16x640xf32, #tpu.memory_space<vmem>>, vector<16xf32>,
      %add3A_84 = arith.addf %add3A_77, %get3A_83 : vector<16xf32>
      %mul3A_85 = arith.constant 16 : i32
      %mul3A_86 = arith.muli %add3A_30, %mul3A_85 : i32
      %get3A_87 = arith.constant 8 : i32
      %get3A_88 = arith.index_cast %get3A_87 : i32 to index
      %get3A_89 = arith.index_cast %mul3A_86 : i32 to index
      %get3A_90 = tpu.vector_load %arg6[%get3A_88, %get3A_89] {strides = array<i32>} : memref<16x640xf32, #tpu.memory_space<vmem>>, vector<16xf32>,
      %add3A_91 = arith.addf %add3A_84, %get3A_90 : vector<16xf32>
      %mul3A_92 = arith.constant 16 : i32
      %mul3A_93 = arith.muli %add3A_30, %mul3A_92 : i32
      %get3A_94 = arith.constant 9 : i32
      %get3A_95 = arith.index_cast %get3A_94 : i32 to index
      %get3A_96 = arith.index_cast %mul3A_93 : i32 to index
      %get3A_97 = tpu.vector_load %arg6[%get3A_95, %get3A_96] {strides = array<i32>} : memref<16x640xf32, #tpu.memory_space<vmem>>, vector<16xf32>,
      %add3A_98 = arith.addf %add3A_91, %get3A_97 : vector<16xf32>
      %mul3A_99 = arith.constant 16 : i32
      %mul3A_100 = arith.muli %add3A_30, %mul3A_99 : i32
      %get3A_101 = arith.constant 10 : i32
      %get3A_102 = arith.index_cast %get3A_101 : i32 to index
      %get3A_103 = arith.index_cast %mul3A_100 : i32 to index
      %get3A_104 = tpu.vector_load %arg6[%get3A_102, %get3A_103] {strides = array<i32>} : memref<16x640xf32, #tpu.memory_space<vmem>>, vector<16xf32>,
      %add3A_105 = arith.addf %add3A_98, %get3A_104 : vector<16xf32>
      %mul3A_106 = arith.constant 16 : i32
      %mul3A_107 = arith.muli %add3A_30, %mul3A_106 : i32
      %get3A_108 = arith.constant 11 : i32
      %get3A_109 = arith.index_cast %get3A_108 : i32 to index
      %get3A_110 = arith.index_cast %mul3A_107 : i32 to index
      %get3A_111 = tpu.vector_load %arg6[%get3A_109, %get3A_110] {strides = array<i32>} : memref<16x640xf32, #tpu.memory_space<vmem>>, vector<16xf32>,
      %add3A_112 = arith.addf %add3A_105, %get3A_111 : vector<16xf32>
      %mul3A_113 = arith.constant 16 : i32
      %mul3A_114 = arith.muli %add3A_30, %mul3A_113 : i32
      %get3A_115 = arith.constant 12 : i32
      %get3A_116 = arith.index_cast %get3A_115 : i32 to index
      %get3A_117 = arith.index_cast %mul3A_114 : i32 to index
      %get3A_118 = tpu.vector_load %arg6[%get3A_116, %get3A_117] {strides = array<i32>} : memref<16x640xf32, #tpu.memory_space<vmem>>, vector<16xf32>,
      %add3A_119 = arith.addf %add3A_112, %get3A_118 : vector<16xf32>
      %mul3A_120 = arith.constant 16 : i32
      %mul3A_121 = arith.muli %add3A_30, %mul3A_120 : i32
      %get3A_122 = arith.constant 13 : i32
      %get3A_123 = arith.index_cast %get3A_122 : i32 to index
      %get3A_124 = arith.index_cast %mul3A_121 : i32 to index
      %get3A_125 = tpu.vector_load %arg6[%get3A_123, %get3A_124] {strides = array<i32>} : memref<16x640xf32, #tpu.memory_space<vmem>>, vector<16xf32>,
      %add3A_126 = arith.addf %add3A_119, %get3A_125 : vector<16xf32>
      %mul3A_127 = arith.constant 16 : i32
      %mul3A_128 = arith.muli %add3A_30, %mul3A_127 : i32
      %get3A_129 = arith.constant 14 : i32
      %get3A_130 = arith.index_cast %get3A_129 : i32 to index
      %get3A_131 = arith.index_cast %mul3A_128 : i32 to index
      %get3A_132 = tpu.vector_load %arg6[%get3A_130, %get3A_131] {strides = array<i32>} : memref<16x640xf32, #tpu.memory_space<vmem>>, vector<16xf32>,
      %add3A_133 = arith.addf %add3A_126, %get3A_132 : vector<16xf32>
      %mul3A_134 = arith.constant 16 : i32
      %mul3A_135 = arith.muli %add3A_30, %mul3A_134 : i32
      %get3A_136 = arith.constant 15 : i32
      %get3A_137 = arith.index_cast %get3A_136 : i32 to index
      %get3A_138 = arith.index_cast %mul3A_135 : i32 to index
      %get3A_139 = tpu.vector_load %arg6[%get3A_137, %get3A_138] {strides = array<i32>} : memref<16x640xf32, #tpu.memory_space<vmem>>, vector<16xf32>,
      %add3A_140 = arith.addf %add3A_133, %get3A_139 : vector<16xf32>
      %mul3A_141 = arith.constant 16 : i32
      %mul3A_142 = arith.muli %add3A_30, %mul3A_141 : i32
      %swap3A = arith.index_cast %mul3A_142 : i32 to index
      %swap3A_143 = tpu.vector_load %arg7[%swap3A] {strides = array<i32>} : memref<640xf32, #tpu.memory_space<vmem>>, vector<16xf32>,
      tpu.vector_store %arg7[%swap3A], %add3A_140 {strides = array<i32>} : memref<640xf32, #tpu.memory_space<vmem>>, vector<16xf32>,
    }
    %scan3A_23 = arith.constant 40 : i32
    %mul3A_24 = arith.constant 640 : i32
    %mul3A_25 = arith.muli %arg1, %mul3A_24 : i32
    "tpu.region"() ({
      %run_scoped3A_26 = tpu.sem_alloc : memref<!tpu.dma_semaphore, #tpu.memory_space<semaphore_mem>>
      %dma_start3A = tpu.memref_slice %arg3[%arg0, %mul3A_25] : memref<2x10240xf32, #tpu.memory_space<hbm>> -> memref<1x640xf32, #tpu.memory_space<hbm>>
      %dma_start3A_27 = tpu.memref_squeeze %dma_start3A : memref<1x640xf32, #tpu.memory_space<hbm>> -> memref<640xf32, #tpu.memory_space<hbm>>
      %dma_start3A_28 = tpu.memref_slice %arg3[%arg0, %mul3A_25] : memref<2x10240xf32, #tpu.memory_space<hbm>> -> memref<1x640xf32, #tpu.memory_space<hbm>>
      %dma_start3A_29 = tpu.memref_squeeze %dma_start3A_28 : memref<1x640xf32, #tpu.memory_space<hbm>> -> memref<640xf32, #tpu.memory_space<hbm>>
      tpu.enqueue_dma source(%arg7 : memref<640xf32, #tpu.memory_space<vmem>>) target(%dma_start3A_29 : memref<640xf32, #tpu.memory_space<hbm>>) target_semaphore(%run_scoped3A_26 : memref<!tpu.dma_semaphore, #tpu.memory_space<semaphore_mem>>)
      %dma_wait3A = tpu.memref_slice %arg3[%arg0, %mul3A_25] : memref<2x10240xf32, #tpu.memory_space<hbm>> -> memref<1x640xf32, #tpu.memory_space<hbm>>
      %dma_wait3A_30 = tpu.memref_squeeze %dma_wait3A : memref<1x640xf32, #tpu.memory_space<hbm>> -> memref<640xf32, #tpu.memory_space<hbm>>
      %dma_wait3A_31 = tpu.memref_slice %arg3[%arg0, %mul3A_25] : memref<2x10240xf32, #tpu.memory_space<hbm>> -> memref<1x640xf32, #tpu.memory_space<hbm>>
      %dma_wait3A_32 = tpu.memref_squeeze %dma_wait3A_31 : memref<1x640xf32, #tpu.memory_space<hbm>> -> memref<640xf32, #tpu.memory_space<hbm>>
      tpu.wait_dma2 semaphore(%run_scoped3A_26 : memref<!tpu.dma_semaphore, #tpu.memory_space<semaphore_mem>>) src(%arg7 : memref<640xf32, #tpu.memory_space<vmem>>) dst(%dma_wait3A_32 : memref<640xf32, #tpu.memory_space<hbm>>)
      tpu.yield
    }) : () -> ()
    return
  }
}

#map = affine_map<(d0, d1) -> (0, 0)>
#map1 = affine_map<(d0, d1) -> (0, 0, 0)>
module attributes {stable_mosaic.version = 14 : i64} {
  func.func @_agg(%arg0: i32, %arg1: i32, %arg2: memref<10000x128xf32, #tpu.memory_space<hbm>>, %arg3: memref<2x1280x125xi32, #tpu.memory_space<hbm>>, %arg4: memref<2x10240x128xf32, #tpu.memory_space<hbm>>, %arg5: memref<40x125xi32, #tpu.memory_space<vmem>>, %arg6: memref<40x125xi32, #tpu.memory_space<vmem>>, %arg7: memref<125x128xf32, #tpu.memory_space<vmem>>, %arg8: memref<125x128xf32, #tpu.memory_space<vmem>>, %arg9: memref<10240x128xf32, #tpu.memory_space<vmem_shared>>, %arg10: memref<!tpu.dma_semaphore, #tpu.memory_space<semaphore_mem>>, %arg11: memref<!tpu.dma_semaphore, #tpu.memory_space<semaphore_mem>>) attributes {dimension_semantics = [#tpu.dimension_semantics<core_parallel>, #tpu.dimension_semantics<subcore_parallel>], iteration_bounds = array<i64: 2, 16>, scalar_prefetch = 0 : i64, scratch_operands = 7 : i64, tpu.core_type = #tpu.core_type<sc_vector_subcore>, window_params = [{transform_indices = #map}, {transform_indices = #map1}, {transform_indices = #map1}]} {
    %mul3A = arith.constant 16 : i32
    %mul3A_0 = arith.muli %arg0, %mul3A : i32
    %add3A = arith.addi %mul3A_0, %arg1 : i32
    %mul3A_1 = arith.constant 40 : i32
    %mul3A_2 = arith.muli %add3A, %mul3A_1 : i32
    %run_scoped3A = arith.constant 0 : i32
    "tpu.region"() ({
      %run_scoped3A_74 = tpu.sem_alloc : memref<!tpu.dma_semaphore, #tpu.memory_space<semaphore_mem>>
      %dma_start3A_75 = arith.constant 0 : i32
      %dma_start3A_76 = tpu.memref_slice %arg3[%run_scoped3A, %mul3A_2, %dma_start3A_75] : memref<2x1280x125xi32, #tpu.memory_space<hbm>> -> memref<1x40x125xi32, #tpu.memory_space<hbm>>
      %dma_start3A_77 = tpu.memref_squeeze %dma_start3A_76 : memref<1x40x125xi32, #tpu.memory_space<hbm>> -> memref<40x125xi32, #tpu.memory_space<hbm>>
      %dma_start3A_78 = arith.constant 0 : i32
      %dma_start3A_79 = tpu.memref_slice %arg3[%run_scoped3A, %mul3A_2, %dma_start3A_78] : memref<2x1280x125xi32, #tpu.memory_space<hbm>> -> memref<1x40x125xi32, #tpu.memory_space<hbm>>
      %dma_start3A_80 = tpu.memref_squeeze %dma_start3A_79 : memref<1x40x125xi32, #tpu.memory_space<hbm>> -> memref<40x125xi32, #tpu.memory_space<hbm>>
      tpu.enqueue_dma source(%dma_start3A_80 : memref<40x125xi32, #tpu.memory_space<hbm>>) target(%arg5 : memref<40x125xi32, #tpu.memory_space<vmem>>) target_semaphore(%run_scoped3A_74 : memref<!tpu.dma_semaphore, #tpu.memory_space<semaphore_mem>>)
      %dma_wait3A_81 = arith.constant 0 : i32
      %dma_wait3A_82 = tpu.memref_slice %arg3[%run_scoped3A, %mul3A_2, %dma_wait3A_81] : memref<2x1280x125xi32, #tpu.memory_space<hbm>> -> memref<1x40x125xi32, #tpu.memory_space<hbm>>
      %dma_wait3A_83 = tpu.memref_squeeze %dma_wait3A_82 : memref<1x40x125xi32, #tpu.memory_space<hbm>> -> memref<40x125xi32, #tpu.memory_space<hbm>>
      %dma_wait3A_84 = arith.constant 0 : i32
      %dma_wait3A_85 = tpu.memref_slice %arg3[%run_scoped3A, %mul3A_2, %dma_wait3A_84] : memref<2x1280x125xi32, #tpu.memory_space<hbm>> -> memref<1x40x125xi32, #tpu.memory_space<hbm>>
      %dma_wait3A_86 = tpu.memref_squeeze %dma_wait3A_85 : memref<1x40x125xi32, #tpu.memory_space<hbm>> -> memref<40x125xi32, #tpu.memory_space<hbm>>
      tpu.wait_dma2 semaphore(%run_scoped3A_74 : memref<!tpu.dma_semaphore, #tpu.memory_space<semaphore_mem>>) src(%dma_wait3A_86 : memref<40x125xi32, #tpu.memory_space<hbm>>) dst(%arg5 : memref<40x125xi32, #tpu.memory_space<vmem>>)
      tpu.yield
    }) : () -> ()
    %mul3A_3 = arith.constant 40 : i32
    %mul3A_4 = arith.muli %add3A, %mul3A_3 : i32
    %run_scoped3A_5 = arith.constant 1 : i32
    "tpu.region"() ({
      %run_scoped3A_74 = tpu.sem_alloc : memref<!tpu.dma_semaphore, #tpu.memory_space<semaphore_mem>>
      %dma_start3A_75 = arith.constant 0 : i32
      %dma_start3A_76 = tpu.memref_slice %arg3[%run_scoped3A_5, %mul3A_4, %dma_start3A_75] : memref<2x1280x125xi32, #tpu.memory_space<hbm>> -> memref<1x40x125xi32, #tpu.memory_space<hbm>>
      %dma_start3A_77 = tpu.memref_squeeze %dma_start3A_76 : memref<1x40x125xi32, #tpu.memory_space<hbm>> -> memref<40x125xi32, #tpu.memory_space<hbm>>
      %dma_start3A_78 = arith.constant 0 : i32
      %dma_start3A_79 = tpu.memref_slice %arg3[%run_scoped3A_5, %mul3A_4, %dma_start3A_78] : memref<2x1280x125xi32, #tpu.memory_space<hbm>> -> memref<1x40x125xi32, #tpu.memory_space<hbm>>
      %dma_start3A_80 = tpu.memref_squeeze %dma_start3A_79 : memref<1x40x125xi32, #tpu.memory_space<hbm>> -> memref<40x125xi32, #tpu.memory_space<hbm>>
      tpu.enqueue_dma source(%dma_start3A_80 : memref<40x125xi32, #tpu.memory_space<hbm>>) target(%arg6 : memref<40x125xi32, #tpu.memory_space<vmem>>) target_semaphore(%run_scoped3A_74 : memref<!tpu.dma_semaphore, #tpu.memory_space<semaphore_mem>>)
      %dma_wait3A_81 = arith.constant 0 : i32
      %dma_wait3A_82 = tpu.memref_slice %arg3[%run_scoped3A_5, %mul3A_4, %dma_wait3A_81] : memref<2x1280x125xi32, #tpu.memory_space<hbm>> -> memref<1x40x125xi32, #tpu.memory_space<hbm>>
      %dma_wait3A_83 = tpu.memref_squeeze %dma_wait3A_82 : memref<1x40x125xi32, #tpu.memory_space<hbm>> -> memref<40x125xi32, #tpu.memory_space<hbm>>
      %dma_wait3A_84 = arith.constant 0 : i32
      %dma_wait3A_85 = tpu.memref_slice %arg3[%run_scoped3A_5, %mul3A_4, %dma_wait3A_84] : memref<2x1280x125xi32, #tpu.memory_space<hbm>> -> memref<1x40x125xi32, #tpu.memory_space<hbm>>
      %dma_wait3A_86 = tpu.memref_squeeze %dma_wait3A_85 : memref<1x40x125xi32, #tpu.memory_space<hbm>> -> memref<40x125xi32, #tpu.memory_space<hbm>>
      tpu.wait_dma2 semaphore(%run_scoped3A_74 : memref<!tpu.dma_semaphore, #tpu.memory_space<semaphore_mem>>) src(%dma_wait3A_86 : memref<40x125xi32, #tpu.memory_space<hbm>>) dst(%arg6 : memref<40x125xi32, #tpu.memory_space<vmem>>)
      tpu.yield
    }) : () -> ()
    %broadcast_in_dim3A = arith.constant 0.000000e+00 : f32
    %broadcast_in_dim3A_6 = vector.broadcast %broadcast_in_dim3A : f32 to vector<16xf32>
    %scan3A = arith.constant 0 : i32
    %scan3A_7 = arith.constant 1000 : i32
    %scan3A_8 = arith.addi %scan3A, %scan3A_7 : i32
    %scan3A_9 = arith.constant 1 : i32
    scf.for %scan3A_74 = %scan3A to %scan3A_8 step %scan3A_9  : i32 {
      %mul3A_75 = arith.constant 1 : i32
      %mul3A_76 = arith.muli %scan3A_74, %mul3A_75 : i32
      %add3A_77 = arith.constant 0 : i32
      %add3A_78 = arith.addi %add3A_77, %mul3A_76 : i32
      %jit3A = arith.constant 8 : i32
      %div3A = arith.divsi %add3A_78, %jit3A : i32
      %sign3A = arith.constant 0 : i32
      %sign3A_79 = arith.cmpi sgt, %add3A_78, %sign3A : i32
      %sign3A_80 = arith.extui %sign3A_79 : i1 to i32
      %sign3A_81 = arith.constant 0 : i32
      %sign3A_82 = arith.cmpi slt, %add3A_78, %sign3A_81 : i32
      %sign3A_83 = arith.extui %sign3A_82 : i1 to i32
      %sign3A_84 = arith.subi %sign3A_80, %sign3A_83 : i32
      %sign3A_85 = arith.constant 0 : i32
      %sign3A_86 = arith.cmpi sgt, %jit3A, %sign3A_85 : i32
      %sign3A_87 = arith.extui %sign3A_86 : i1 to i32
      %sign3A_88 = arith.constant 0 : i32
      %sign3A_89 = arith.cmpi slt, %jit3A, %sign3A_88 : i32
      %sign3A_90 = arith.extui %sign3A_89 : i1 to i32
      %sign3A_91 = arith.subi %sign3A_87, %sign3A_90 : i32
      %ne3A = arith.cmpi ne, %sign3A_84, %sign3A_91 : i32
      %rem3A = arith.remsi %add3A_78, %jit3A : i32
      %ne3A_92 = arith.constant 0 : i32
      %ne3A_93 = arith.cmpi ne, %rem3A, %ne3A_92 : i32
      %and3A = arith.andi %ne3A, %ne3A_93 : i1
      %sub3A_94 = arith.constant 1 : i32
      %sub3A_95 = arith.subi %div3A, %sub3A_94 : i32
      %select_n3A = arith.select %and3A, %sub3A_95, %div3A : i32
      %jit3A_96 = arith.constant 8 : i32
      %eq3A = arith.constant 0 : i32
      %eq3A_97 = arith.cmpi eq, %jit3A_96, %eq3A : i32
      %jit3A_98 = arith.constant 1 : i32
      %select_n3A_99 = arith.select %eq3A_97, %jit3A_98, %jit3A_96 : i32
      %rem3A_100 = arith.remsi %add3A_78, %select_n3A_99 : i32
      %ne3A_101 = arith.constant 0 : i32
      %ne3A_102 = arith.cmpi ne, %rem3A_100, %ne3A_101 : i32
      %lt3A = arith.constant 0 : i32
      %lt3A_103 = arith.cmpi slt, %rem3A_100, %lt3A : i32
      %lt3A_104 = arith.constant 0 : i32
      %lt3A_105 = arith.cmpi slt, %select_n3A_99, %lt3A_104 : i32
      %ne3A_106 = arith.xori %lt3A_103, %lt3A_105 : i1
      %and3A_107 = arith.andi %ne3A_106, %ne3A_102 : i1
      %add3A_108 = arith.addi %rem3A_100, %select_n3A_99 : i32
      %select_n3A_109 = arith.select %and3A_107, %add3A_108, %rem3A_100 : i32
      %mul3A_110 = arith.constant 16 : i32
      %mul3A_111 = arith.muli %select_n3A_109, %mul3A_110 : i32
      %swap3A = arith.index_cast %select_n3A : i32 to index
      %swap3A_112 = arith.index_cast %mul3A_111 : i32 to index
      %swap3A_113 = tpu.vector_load %arg7[%swap3A, %swap3A_112] {strides = array<i32>} : memref<125x128xf32, #tpu.memory_space<vmem>>, vector<1x16xf32>,
      %swap3A_114 = vector.shape_cast %swap3A_113 : vector<1x16xf32> to vector<16xf32>
      %swap3A_115 = vector.shape_cast %broadcast_in_dim3A_6 : vector<16xf32> to vector<1x16xf32>
      tpu.vector_store %arg7[%swap3A, %swap3A_112], %swap3A_115 {strides = array<i32>} : memref<125x128xf32, #tpu.memory_space<vmem>>, vector<1x16xf32>,
    }
    %scan3A_10 = arith.constant 1000 : i32
    %mul3A_11 = arith.constant 640 : i32
    %mul3A_12 = arith.muli %arg1, %mul3A_11 : i32
    %add3A_13 = arith.constant 0 : i32
    %add3A_14 = arith.addi %mul3A_12, %add3A_13 : i32
    "tpu.region"() ({
      %run_scoped3A_74 = tpu.sem_alloc : memref<!tpu.dma_semaphore, #tpu.memory_space<semaphore_mem>>
      %dma_start3A_75 = arith.constant 0 : i32
      %dma_start3A_76 = tpu.memref_slice %arg9[%add3A_14, %dma_start3A_75] : memref<10240x128xf32, #tpu.memory_space<vmem_shared>> -> memref<125x128xf32, #tpu.memory_space<vmem_shared>>
      %dma_start3A_77 = arith.constant 0 : i32
      %dma_start3A_78 = tpu.memref_slice %arg9[%add3A_14, %dma_start3A_77] : memref<10240x128xf32, #tpu.memory_space<vmem_shared>> -> memref<125x128xf32, #tpu.memory_space<vmem_shared>>
      tpu.enqueue_dma source(%arg7 : memref<125x128xf32, #tpu.memory_space<vmem>>) target(%dma_start3A_78 : memref<125x128xf32, #tpu.memory_space<vmem_shared>>) target_semaphore(%run_scoped3A_74 : memref<!tpu.dma_semaphore, #tpu.memory_space<semaphore_mem>>)
      %dma_wait3A_79 = arith.constant 0 : i32
      %dma_wait3A_80 = tpu.memref_slice %arg9[%add3A_14, %dma_wait3A_79] : memref<10240x128xf32, #tpu.memory_space<vmem_shared>> -> memref<125x128xf32, #tpu.memory_space<vmem_shared>>
      %dma_wait3A_81 = arith.constant 0 : i32
      %dma_wait3A_82 = tpu.memref_slice %arg9[%add3A_14, %dma_wait3A_81] : memref<10240x128xf32, #tpu.memory_space<vmem_shared>> -> memref<125x128xf32, #tpu.memory_space<vmem_shared>>
      tpu.wait_dma2 semaphore(%run_scoped3A_74 : memref<!tpu.dma_semaphore, #tpu.memory_space<semaphore_mem>>) src(%arg7 : memref<125x128xf32, #tpu.memory_space<vmem>>) dst(%dma_wait3A_82 : memref<125x128xf32, #tpu.memory_space<vmem_shared>>)
      tpu.yield
    }) : () -> ()
    %mul3A_15 = arith.constant 640 : i32
    %mul3A_16 = arith.muli %arg1, %mul3A_15 : i32
    %add3A_17 = arith.constant 125 : i32
    %add3A_18 = arith.addi %mul3A_16, %add3A_17 : i32
    "tpu.region"() ({
      %run_scoped3A_74 = tpu.sem_alloc : memref<!tpu.dma_semaphore, #tpu.memory_space<semaphore_mem>>
      %dma_start3A_75 = arith.constant 0 : i32
      %dma_start3A_76 = tpu.memref_slice %arg9[%add3A_18, %dma_start3A_75] : memref<10240x128xf32, #tpu.memory_space<vmem_shared>> -> memref<125x128xf32, #tpu.memory_space<vmem_shared>>
      %dma_start3A_77 = arith.constant 0 : i32
      %dma_start3A_78 = tpu.memref_slice %arg9[%add3A_18, %dma_start3A_77] : memref<10240x128xf32, #tpu.memory_space<vmem_shared>> -> memref<125x128xf32, #tpu.memory_space<vmem_shared>>
      tpu.enqueue_dma source(%arg7 : memref<125x128xf32, #tpu.memory_space<vmem>>) target(%dma_start3A_78 : memref<125x128xf32, #tpu.memory_space<vmem_shared>>) target_semaphore(%run_scoped3A_74 : memref<!tpu.dma_semaphore, #tpu.memory_space<semaphore_mem>>)
      %dma_wait3A_79 = arith.constant 0 : i32
      %dma_wait3A_80 = tpu.memref_slice %arg9[%add3A_18, %dma_wait3A_79] : memref<10240x128xf32, #tpu.memory_space<vmem_shared>> -> memref<125x128xf32, #tpu.memory_space<vmem_shared>>
      %dma_wait3A_81 = arith.constant 0 : i32
      %dma_wait3A_82 = tpu.memref_slice %arg9[%add3A_18, %dma_wait3A_81] : memref<10240x128xf32, #tpu.memory_space<vmem_shared>> -> memref<125x128xf32, #tpu.memory_space<vmem_shared>>
      tpu.wait_dma2 semaphore(%run_scoped3A_74 : memref<!tpu.dma_semaphore, #tpu.memory_space<semaphore_mem>>) src(%arg7 : memref<125x128xf32, #tpu.memory_space<vmem>>) dst(%dma_wait3A_82 : memref<125x128xf32, #tpu.memory_space<vmem_shared>>)
      tpu.yield
    }) : () -> ()
    %mul3A_19 = arith.constant 640 : i32
    %mul3A_20 = arith.muli %arg1, %mul3A_19 : i32
    %add3A_21 = arith.constant 250 : i32
    %add3A_22 = arith.addi %mul3A_20, %add3A_21 : i32
    "tpu.region"() ({
      %run_scoped3A_74 = tpu.sem_alloc : memref<!tpu.dma_semaphore, #tpu.memory_space<semaphore_mem>>
      %dma_start3A_75 = arith.constant 0 : i32
      %dma_start3A_76 = tpu.memref_slice %arg9[%add3A_22, %dma_start3A_75] : memref<10240x128xf32, #tpu.memory_space<vmem_shared>> -> memref<125x128xf32, #tpu.memory_space<vmem_shared>>
      %dma_start3A_77 = arith.constant 0 : i32
      %dma_start3A_78 = tpu.memref_slice %arg9[%add3A_22, %dma_start3A_77] : memref<10240x128xf32, #tpu.memory_space<vmem_shared>> -> memref<125x128xf32, #tpu.memory_space<vmem_shared>>
      tpu.enqueue_dma source(%arg7 : memref<125x128xf32, #tpu.memory_space<vmem>>) target(%dma_start3A_78 : memref<125x128xf32, #tpu.memory_space<vmem_shared>>) target_semaphore(%run_scoped3A_74 : memref<!tpu.dma_semaphore, #tpu.memory_space<semaphore_mem>>)
      %dma_wait3A_79 = arith.constant 0 : i32
      %dma_wait3A_80 = tpu.memref_slice %arg9[%add3A_22, %dma_wait3A_79] : memref<10240x128xf32, #tpu.memory_space<vmem_shared>> -> memref<125x128xf32, #tpu.memory_space<vmem_shared>>
      %dma_wait3A_81 = arith.constant 0 : i32
      %dma_wait3A_82 = tpu.memref_slice %arg9[%add3A_22, %dma_wait3A_81] : memref<10240x128xf32, #tpu.memory_space<vmem_shared>> -> memref<125x128xf32, #tpu.memory_space<vmem_shared>>
      tpu.wait_dma2 semaphore(%run_scoped3A_74 : memref<!tpu.dma_semaphore, #tpu.memory_space<semaphore_mem>>) src(%arg7 : memref<125x128xf32, #tpu.memory_space<vmem>>) dst(%dma_wait3A_82 : memref<125x128xf32, #tpu.memory_space<vmem_shared>>)
      tpu.yield
    }) : () -> ()
    %mul3A_23 = arith.constant 640 : i32
    %mul3A_24 = arith.muli %arg1, %mul3A_23 : i32
    %add3A_25 = arith.constant 375 : i32
    %add3A_26 = arith.addi %mul3A_24, %add3A_25 : i32
    "tpu.region"() ({
      %run_scoped3A_74 = tpu.sem_alloc : memref<!tpu.dma_semaphore, #tpu.memory_space<semaphore_mem>>
      %dma_start3A_75 = arith.constant 0 : i32
      %dma_start3A_76 = tpu.memref_slice %arg9[%add3A_26, %dma_start3A_75] : memref<10240x128xf32, #tpu.memory_space<vmem_shared>> -> memref<125x128xf32, #tpu.memory_space<vmem_shared>>
      %dma_start3A_77 = arith.constant 0 : i32
      %dma_start3A_78 = tpu.memref_slice %arg9[%add3A_26, %dma_start3A_77] : memref<10240x128xf32, #tpu.memory_space<vmem_shared>> -> memref<125x128xf32, #tpu.memory_space<vmem_shared>>
      tpu.enqueue_dma source(%arg7 : memref<125x128xf32, #tpu.memory_space<vmem>>) target(%dma_start3A_78 : memref<125x128xf32, #tpu.memory_space<vmem_shared>>) target_semaphore(%run_scoped3A_74 : memref<!tpu.dma_semaphore, #tpu.memory_space<semaphore_mem>>)
      %dma_wait3A_79 = arith.constant 0 : i32
      %dma_wait3A_80 = tpu.memref_slice %arg9[%add3A_26, %dma_wait3A_79] : memref<10240x128xf32, #tpu.memory_space<vmem_shared>> -> memref<125x128xf32, #tpu.memory_space<vmem_shared>>
      %dma_wait3A_81 = arith.constant 0 : i32
      %dma_wait3A_82 = tpu.memref_slice %arg9[%add3A_26, %dma_wait3A_81] : memref<10240x128xf32, #tpu.memory_space<vmem_shared>> -> memref<125x128xf32, #tpu.memory_space<vmem_shared>>
      tpu.wait_dma2 semaphore(%run_scoped3A_74 : memref<!tpu.dma_semaphore, #tpu.memory_space<semaphore_mem>>) src(%arg7 : memref<125x128xf32, #tpu.memory_space<vmem>>) dst(%dma_wait3A_82 : memref<125x128xf32, #tpu.memory_space<vmem_shared>>)
      tpu.yield
    }) : () -> ()
    %mul3A_27 = arith.constant 640 : i32
    %mul3A_28 = arith.muli %arg1, %mul3A_27 : i32
    %add3A_29 = arith.constant 500 : i32
    %add3A_30 = arith.addi %mul3A_28, %add3A_29 : i32
    "tpu.region"() ({
      %run_scoped3A_74 = tpu.sem_alloc : memref<!tpu.dma_semaphore, #tpu.memory_space<semaphore_mem>>
      %dma_start3A_75 = arith.constant 0 : i32
      %dma_start3A_76 = tpu.memref_slice %arg9[%add3A_30, %dma_start3A_75] : memref<10240x128xf32, #tpu.memory_space<vmem_shared>> -> memref<125x128xf32, #tpu.memory_space<vmem_shared>>
      %dma_start3A_77 = arith.constant 0 : i32
      %dma_start3A_78 = tpu.memref_slice %arg9[%add3A_30, %dma_start3A_77] : memref<10240x128xf32, #tpu.memory_space<vmem_shared>> -> memref<125x128xf32, #tpu.memory_space<vmem_shared>>
      tpu.enqueue_dma source(%arg7 : memref<125x128xf32, #tpu.memory_space<vmem>>) target(%dma_start3A_78 : memref<125x128xf32, #tpu.memory_space<vmem_shared>>) target_semaphore(%run_scoped3A_74 : memref<!tpu.dma_semaphore, #tpu.memory_space<semaphore_mem>>)
      %dma_wait3A_79 = arith.constant 0 : i32
      %dma_wait3A_80 = tpu.memref_slice %arg9[%add3A_30, %dma_wait3A_79] : memref<10240x128xf32, #tpu.memory_space<vmem_shared>> -> memref<125x128xf32, #tpu.memory_space<vmem_shared>>
      %dma_wait3A_81 = arith.constant 0 : i32
      %dma_wait3A_82 = tpu.memref_slice %arg9[%add3A_30, %dma_wait3A_81] : memref<10240x128xf32, #tpu.memory_space<vmem_shared>> -> memref<125x128xf32, #tpu.memory_space<vmem_shared>>
      tpu.wait_dma2 semaphore(%run_scoped3A_74 : memref<!tpu.dma_semaphore, #tpu.memory_space<semaphore_mem>>) src(%arg7 : memref<125x128xf32, #tpu.memory_space<vmem>>) dst(%dma_wait3A_82 : memref<125x128xf32, #tpu.memory_space<vmem_shared>>)
      tpu.yield
    }) : () -> ()
    %mul3A_31 = arith.constant 640 : i32
    %mul3A_32 = arith.muli %arg1, %mul3A_31 : i32
    %add3A_33 = arith.constant 640 : i32
    %add3A_34 = arith.addi %mul3A_32, %add3A_33 : i32
    %sub3A = arith.constant 15 : i32
    %sub3A_35 = arith.subi %add3A_34, %sub3A : i32
    "tpu.region"() ({
      %run_scoped3A_74 = tpu.sem_alloc : memref<!tpu.dma_semaphore, #tpu.memory_space<semaphore_mem>>
      %dma_start3A_75 = arith.constant 0 : i32
      %dma_start3A_76 = arith.constant 0 : i32
      %dma_start3A_77 = tpu.memref_slice %arg7[%dma_start3A_75, %dma_start3A_76] : memref<125x128xf32, #tpu.memory_space<vmem>> -> memref<15x128xf32, #tpu.memory_space<vmem>>
      %dma_start3A_78 = arith.constant 0 : i32
      %dma_start3A_79 = tpu.memref_slice %arg9[%sub3A_35, %dma_start3A_78] : memref<10240x128xf32, #tpu.memory_space<vmem_shared>> -> memref<15x128xf32, #tpu.memory_space<vmem_shared>>
      %dma_start3A_80 = arith.constant 0 : i32
      %dma_start3A_81 = tpu.memref_slice %arg9[%sub3A_35, %dma_start3A_80] : memref<10240x128xf32, #tpu.memory_space<vmem_shared>> -> memref<15x128xf32, #tpu.memory_space<vmem_shared>>
      %dma_start3A_82 = arith.constant 0 : i32
      %dma_start3A_83 = arith.constant 0 : i32
      %dma_start3A_84 = tpu.memref_slice %arg7[%dma_start3A_82, %dma_start3A_83] : memref<125x128xf32, #tpu.memory_space<vmem>> -> memref<15x128xf32, #tpu.memory_space<vmem>>
      tpu.enqueue_dma source(%dma_start3A_84 : memref<15x128xf32, #tpu.memory_space<vmem>>) target(%dma_start3A_81 : memref<15x128xf32, #tpu.memory_space<vmem_shared>>) target_semaphore(%run_scoped3A_74 : memref<!tpu.dma_semaphore, #tpu.memory_space<semaphore_mem>>)
      %dma_wait3A_85 = arith.constant 0 : i32
      %dma_wait3A_86 = arith.constant 0 : i32
      %dma_wait3A_87 = tpu.memref_slice %arg7[%dma_wait3A_85, %dma_wait3A_86] : memref<125x128xf32, #tpu.memory_space<vmem>> -> memref<15x128xf32, #tpu.memory_space<vmem>>
      %dma_wait3A_88 = arith.constant 0 : i32
      %dma_wait3A_89 = tpu.memref_slice %arg9[%sub3A_35, %dma_wait3A_88] : memref<10240x128xf32, #tpu.memory_space<vmem_shared>> -> memref<15x128xf32, #tpu.memory_space<vmem_shared>>
      %dma_wait3A_90 = arith.constant 0 : i32
      %dma_wait3A_91 = tpu.memref_slice %arg9[%sub3A_35, %dma_wait3A_90] : memref<10240x128xf32, #tpu.memory_space<vmem_shared>> -> memref<15x128xf32, #tpu.memory_space<vmem_shared>>
      %dma_wait3A_92 = arith.constant 0 : i32
      %dma_wait3A_93 = arith.constant 0 : i32
      %dma_wait3A_94 = tpu.memref_slice %arg7[%dma_wait3A_92, %dma_wait3A_93] : memref<125x128xf32, #tpu.memory_space<vmem>> -> memref<15x128xf32, #tpu.memory_space<vmem>>
      tpu.wait_dma2 semaphore(%run_scoped3A_74 : memref<!tpu.dma_semaphore, #tpu.memory_space<semaphore_mem>>) src(%dma_wait3A_94 : memref<15x128xf32, #tpu.memory_space<vmem>>) dst(%dma_wait3A_91 : memref<15x128xf32, #tpu.memory_space<vmem_shared>>)
      tpu.yield
    }) : () -> ()
    %dma_start3A = arith.constant 0 : i32
    %dma_start3A_36 = arith.constant 0 : i32
    %dma_start3A_37 = tpu.memref_slice %arg5[%dma_start3A, %dma_start3A_36] : memref<40x125xi32, #tpu.memory_space<vmem>> -> memref<1x125xi32, #tpu.memory_space<vmem>>
    %dma_start3A_38 = tpu.memref_squeeze %dma_start3A_37 : memref<1x125xi32, #tpu.memory_space<vmem>> -> memref<125xi32, #tpu.memory_space<vmem>>
    %dma_start3A_39 = arith.constant 0 : i32
    %dma_start3A_40 = arith.constant 0 : i32
    %dma_start3A_41 = tpu.memref_slice %arg2[%dma_start3A_39, %dma_start3A_40] : memref<10000x128xf32, #tpu.memory_space<hbm>> -> memref<10000x128xf32, #tpu.memory_space<hbm>>
    tpu.enqueue_indirect_dma source(%dma_start3A_41 : memref<10000x128xf32, #tpu.memory_space<hbm>>) target(%arg7 : memref<125x128xf32, #tpu.memory_space<vmem>>) offsets(%dma_start3A_38 : memref<125xi32, #tpu.memory_space<vmem>>) semaphore(%arg10 : memref<!tpu.dma_semaphore, #tpu.memory_space<semaphore_mem>>)
    %dma_start3A_42 = arith.constant 1 : i32
    %dma_start3A_43 = arith.constant 0 : i32
    %dma_start3A_44 = tpu.memref_slice %arg5[%dma_start3A_42, %dma_start3A_43] : memref<40x125xi32, #tpu.memory_space<vmem>> -> memref<1x125xi32, #tpu.memory_space<vmem>>
    %dma_start3A_45 = tpu.memref_squeeze %dma_start3A_44 : memref<1x125xi32, #tpu.memory_space<vmem>> -> memref<125xi32, #tpu.memory_space<vmem>>
    %dma_start3A_46 = arith.constant 0 : i32
    %dma_start3A_47 = arith.constant 0 : i32
    %dma_start3A_48 = tpu.memref_slice %arg2[%dma_start3A_46, %dma_start3A_47] : memref<10000x128xf32, #tpu.memory_space<hbm>> -> memref<10000x128xf32, #tpu.memory_space<hbm>>
    tpu.enqueue_indirect_dma source(%dma_start3A_48 : memref<10000x128xf32, #tpu.memory_space<hbm>>) target(%arg8 : memref<125x128xf32, #tpu.memory_space<vmem>>) offsets(%dma_start3A_45 : memref<125xi32, #tpu.memory_space<vmem>>) semaphore(%arg11 : memref<!tpu.dma_semaphore, #tpu.memory_space<semaphore_mem>>)
    %barrier3A = arith.constant 0 : index
    tpu.barrier barrier_id(%barrier3A)
    %scan3A_49 = arith.constant 0 : i32
    %scan3A_50 = arith.constant 19 : i32
    %scan3A_51 = arith.addi %scan3A_49, %scan3A_50 : i32
    %scan3A_52 = arith.constant 1 : i32
    scf.for %scan3A_74 = %scan3A_49 to %scan3A_51 step %scan3A_52  : i32 {
      %mul3A_75 = arith.constant 1 : i32
      %mul3A_76 = arith.muli %scan3A_74, %mul3A_75 : i32
      %add3A_77 = arith.constant 0 : i32
      %add3A_78 = arith.addi %add3A_77, %mul3A_76 : i32
      %mul3A_79 = arith.constant 2 : i32
      %mul3A_80 = arith.muli %add3A_78, %mul3A_79 : i32
      %dma_wait3A_81 = arith.constant 0 : i32
      %dma_wait3A_82 = tpu.memref_slice %arg5[%mul3A_80, %dma_wait3A_81] : memref<40x125xi32, #tpu.memory_space<vmem>> -> memref<1x125xi32, #tpu.memory_space<vmem>>
      %dma_wait3A_83 = tpu.memref_squeeze %dma_wait3A_82 : memref<1x125xi32, #tpu.memory_space<vmem>> -> memref<125xi32, #tpu.memory_space<vmem>>
      %dma_wait3A_84 = arith.constant 0 : i32
      %dma_wait3A_85 = arith.constant 0 : i32
      %dma_wait3A_86 = tpu.memref_slice %arg2[%dma_wait3A_84, %dma_wait3A_85] : memref<10000x128xf32, #tpu.memory_space<hbm>> -> memref<10000x128xf32, #tpu.memory_space<hbm>>
      tpu.wait_indirect_dma semaphore(%arg10 : memref<!tpu.dma_semaphore, #tpu.memory_space<semaphore_mem>>) src(%dma_wait3A_86 : memref<10000x128xf32, #tpu.memory_space<hbm>>) dst(%arg7 : memref<125x128xf32, #tpu.memory_space<vmem>>)
      "tpu.region"() ({
        %run_scoped3A_113 = tpu.sem_alloc : memref<!tpu.dma_semaphore, #tpu.memory_space<semaphore_mem>>
        %dma_start3A_114 = arith.constant 0 : i32
        %dma_start3A_115 = tpu.memref_slice %arg6[%mul3A_80, %dma_start3A_114] : memref<40x125xi32, #tpu.memory_space<vmem>> -> memref<1x125xi32, #tpu.memory_space<vmem>>
        %dma_start3A_116 = tpu.memref_squeeze %dma_start3A_115 : memref<1x125xi32, #tpu.memory_space<vmem>> -> memref<125xi32, #tpu.memory_space<vmem>>
        %dma_start3A_117 = arith.constant 0 : i32
        %dma_start3A_118 = arith.constant 0 : i32
        %dma_start3A_119 = tpu.memref_slice %arg9[%dma_start3A_117, %dma_start3A_118] : memref<10240x128xf32, #tpu.memory_space<vmem_shared>> -> memref<10240x128xf32, #tpu.memory_space<vmem_shared>>
        tpu.enqueue_indirect_dma source(%arg7 : memref<125x128xf32, #tpu.memory_space<vmem>>) target(%dma_start3A_119 : memref<10240x128xf32, #tpu.memory_space<vmem_shared>>) offsets(%dma_start3A_116 : memref<125xi32, #tpu.memory_space<vmem>>) semaphore(%run_scoped3A_113 : memref<!tpu.dma_semaphore, #tpu.memory_space<semaphore_mem>>) {add = true}
        %dma_wait3A_120 = arith.constant 0 : i32
        %dma_wait3A_121 = tpu.memref_slice %arg6[%mul3A_80, %dma_wait3A_120] : memref<40x125xi32, #tpu.memory_space<vmem>> -> memref<1x125xi32, #tpu.memory_space<vmem>>
        %dma_wait3A_122 = tpu.memref_squeeze %dma_wait3A_121 : memref<1x125xi32, #tpu.memory_space<vmem>> -> memref<125xi32, #tpu.memory_space<vmem>>
        %dma_wait3A_123 = arith.constant 0 : i32
        %dma_wait3A_124 = arith.constant 0 : i32
        %dma_wait3A_125 = tpu.memref_slice %arg9[%dma_wait3A_123, %dma_wait3A_124] : memref<10240x128xf32, #tpu.memory_space<vmem_shared>> -> memref<10240x128xf32, #tpu.memory_space<vmem_shared>>
        tpu.wait_indirect_dma semaphore(%run_scoped3A_113 : memref<!tpu.dma_semaphore, #tpu.memory_space<semaphore_mem>>) src(%arg7 : memref<125x128xf32, #tpu.memory_space<vmem>>) dst(%dma_wait3A_125 : memref<10240x128xf32, #tpu.memory_space<vmem_shared>>)
        tpu.yield
      }) : () -> ()
      %add3A_87 = arith.constant 2 : i32
      %add3A_88 = arith.addi %mul3A_80, %add3A_87 : i32
      %dma_start3A_89 = arith.constant 0 : i32
      %dma_start3A_90 = tpu.memref_slice %arg5[%add3A_88, %dma_start3A_89] : memref<40x125xi32, #tpu.memory_space<vmem>> -> memref<1x125xi32, #tpu.memory_space<vmem>>
      %dma_start3A_91 = tpu.memref_squeeze %dma_start3A_90 : memref<1x125xi32, #tpu.memory_space<vmem>> -> memref<125xi32, #tpu.memory_space<vmem>>
      %dma_start3A_92 = arith.constant 0 : i32
      %dma_start3A_93 = arith.constant 0 : i32
      %dma_start3A_94 = tpu.memref_slice %arg2[%dma_start3A_92, %dma_start3A_93] : memref<10000x128xf32, #tpu.memory_space<hbm>> -> memref<10000x128xf32, #tpu.memory_space<hbm>>
      tpu.enqueue_indirect_dma source(%dma_start3A_94 : memref<10000x128xf32, #tpu.memory_space<hbm>>) target(%arg7 : memref<125x128xf32, #tpu.memory_space<vmem>>) offsets(%dma_start3A_91 : memref<125xi32, #tpu.memory_space<vmem>>) semaphore(%arg10 : memref<!tpu.dma_semaphore, #tpu.memory_space<semaphore_mem>>)
      %add3A_95 = arith.constant 1 : i32
      %add3A_96 = arith.addi %mul3A_80, %add3A_95 : i32
      %dma_wait3A_97 = arith.constant 0 : i32
      %dma_wait3A_98 = tpu.memref_slice %arg5[%add3A_96, %dma_wait3A_97] : memref<40x125xi32, #tpu.memory_space<vmem>> -> memref<1x125xi32, #tpu.memory_space<vmem>>
      %dma_wait3A_99 = tpu.memref_squeeze %dma_wait3A_98 : memref<1x125xi32, #tpu.memory_space<vmem>> -> memref<125xi32, #tpu.memory_space<vmem>>
      %dma_wait3A_100 = arith.constant 0 : i32
      %dma_wait3A_101 = arith.constant 0 : i32
      %dma_wait3A_102 = tpu.memref_slice %arg2[%dma_wait3A_100, %dma_wait3A_101] : memref<10000x128xf32, #tpu.memory_space<hbm>> -> memref<10000x128xf32, #tpu.memory_space<hbm>>
      tpu.wait_indirect_dma semaphore(%arg11 : memref<!tpu.dma_semaphore, #tpu.memory_space<semaphore_mem>>) src(%dma_wait3A_102 : memref<10000x128xf32, #tpu.memory_space<hbm>>) dst(%arg8 : memref<125x128xf32, #tpu.memory_space<vmem>>)
      %add3A_103 = arith.constant 1 : i32
      %add3A_104 = arith.addi %mul3A_80, %add3A_103 : i32
      "tpu.region"() ({
        %run_scoped3A_113 = tpu.sem_alloc : memref<!tpu.dma_semaphore, #tpu.memory_space<semaphore_mem>>
        %dma_start3A_114 = arith.constant 0 : i32
        %dma_start3A_115 = tpu.memref_slice %arg6[%add3A_104, %dma_start3A_114] : memref<40x125xi32, #tpu.memory_space<vmem>> -> memref<1x125xi32, #tpu.memory_space<vmem>>
        %dma_start3A_116 = tpu.memref_squeeze %dma_start3A_115 : memref<1x125xi32, #tpu.memory_space<vmem>> -> memref<125xi32, #tpu.memory_space<vmem>>
        %dma_start3A_117 = arith.constant 0 : i32
        %dma_start3A_118 = arith.constant 0 : i32
        %dma_start3A_119 = tpu.memref_slice %arg9[%dma_start3A_117, %dma_start3A_118] : memref<10240x128xf32, #tpu.memory_space<vmem_shared>> -> memref<10240x128xf32, #tpu.memory_space<vmem_shared>>
        tpu.enqueue_indirect_dma source(%arg8 : memref<125x128xf32, #tpu.memory_space<vmem>>) target(%dma_start3A_119 : memref<10240x128xf32, #tpu.memory_space<vmem_shared>>) offsets(%dma_start3A_116 : memref<125xi32, #tpu.memory_space<vmem>>) semaphore(%run_scoped3A_113 : memref<!tpu.dma_semaphore, #tpu.memory_space<semaphore_mem>>) {add = true}
        %dma_wait3A_120 = arith.constant 0 : i32
        %dma_wait3A_121 = tpu.memref_slice %arg6[%add3A_104, %dma_wait3A_120] : memref<40x125xi32, #tpu.memory_space<vmem>> -> memref<1x125xi32, #tpu.memory_space<vmem>>
        %dma_wait3A_122 = tpu.memref_squeeze %dma_wait3A_121 : memref<1x125xi32, #tpu.memory_space<vmem>> -> memref<125xi32, #tpu.memory_space<vmem>>
        %dma_wait3A_123 = arith.constant 0 : i32
        %dma_wait3A_124 = arith.constant 0 : i32
        %dma_wait3A_125 = tpu.memref_slice %arg9[%dma_wait3A_123, %dma_wait3A_124] : memref<10240x128xf32, #tpu.memory_space<vmem_shared>> -> memref<10240x128xf32, #tpu.memory_space<vmem_shared>>
        tpu.wait_indirect_dma semaphore(%run_scoped3A_113 : memref<!tpu.dma_semaphore, #tpu.memory_space<semaphore_mem>>) src(%arg8 : memref<125x128xf32, #tpu.memory_space<vmem>>) dst(%dma_wait3A_125 : memref<10240x128xf32, #tpu.memory_space<vmem_shared>>)
        tpu.yield
      }) : () -> ()
      %add3A_105 = arith.constant 3 : i32
      %add3A_106 = arith.addi %mul3A_80, %add3A_105 : i32
      %dma_start3A_107 = arith.constant 0 : i32
      %dma_start3A_108 = tpu.memref_slice %arg5[%add3A_106, %dma_start3A_107] : memref<40x125xi32, #tpu.memory_space<vmem>> -> memref<1x125xi32, #tpu.memory_space<vmem>>
      %dma_start3A_109 = tpu.memref_squeeze %dma_start3A_108 : memref<1x125xi32, #tpu.memory_space<vmem>> -> memref<125xi32, #tpu.memory_space<vmem>>
      %dma_start3A_110 = arith.constant 0 : i32
      %dma_start3A_111 = arith.constant 0 : i32
      %dma_start3A_112 = tpu.memref_slice %arg2[%dma_start3A_110, %dma_start3A_111] : memref<10000x128xf32, #tpu.memory_space<hbm>> -> memref<10000x128xf32, #tpu.memory_space<hbm>>
      tpu.enqueue_indirect_dma source(%dma_start3A_112 : memref<10000x128xf32, #tpu.memory_space<hbm>>) target(%arg8 : memref<125x128xf32, #tpu.memory_space<vmem>>) offsets(%dma_start3A_109 : memref<125xi32, #tpu.memory_space<vmem>>) semaphore(%arg11 : memref<!tpu.dma_semaphore, #tpu.memory_space<semaphore_mem>>)
    }
    %scan3A_53 = arith.constant 19 : i32
    %dma_wait3A = arith.constant 38 : i32
    %dma_wait3A_54 = arith.constant 0 : i32
    %dma_wait3A_55 = tpu.memref_slice %arg5[%dma_wait3A, %dma_wait3A_54] : memref<40x125xi32, #tpu.memory_space<vmem>> -> memref<1x125xi32, #tpu.memory_space<vmem>>
    %dma_wait3A_56 = tpu.memref_squeeze %dma_wait3A_55 : memref<1x125xi32, #tpu.memory_space<vmem>> -> memref<125xi32, #tpu.memory_space<vmem>>
    %dma_wait3A_57 = arith.constant 0 : i32
    %dma_wait3A_58 = arith.constant 0 : i32
    %dma_wait3A_59 = tpu.memref_slice %arg2[%dma_wait3A_57, %dma_wait3A_58] : memref<10000x128xf32, #tpu.memory_space<hbm>> -> memref<10000x128xf32, #tpu.memory_space<hbm>>
    tpu.wait_indirect_dma semaphore(%arg10 : memref<!tpu.dma_semaphore, #tpu.memory_space<semaphore_mem>>) src(%dma_wait3A_59 : memref<10000x128xf32, #tpu.memory_space<hbm>>) dst(%arg7 : memref<125x128xf32, #tpu.memory_space<vmem>>)
    %run_scoped3A_60 = arith.constant 38 : i32
    "tpu.region"() ({
      %run_scoped3A_74 = tpu.sem_alloc : memref<!tpu.dma_semaphore, #tpu.memory_space<semaphore_mem>>
      %dma_start3A_75 = arith.constant 0 : i32
      %dma_start3A_76 = tpu.memref_slice %arg6[%run_scoped3A_60, %dma_start3A_75] : memref<40x125xi32, #tpu.memory_space<vmem>> -> memref<1x125xi32, #tpu.memory_space<vmem>>
      %dma_start3A_77 = tpu.memref_squeeze %dma_start3A_76 : memref<1x125xi32, #tpu.memory_space<vmem>> -> memref<125xi32, #tpu.memory_space<vmem>>
      %dma_start3A_78 = arith.constant 0 : i32
      %dma_start3A_79 = arith.constant 0 : i32
      %dma_start3A_80 = tpu.memref_slice %arg9[%dma_start3A_78, %dma_start3A_79] : memref<10240x128xf32, #tpu.memory_space<vmem_shared>> -> memref<10240x128xf32, #tpu.memory_space<vmem_shared>>
      tpu.enqueue_indirect_dma source(%arg7 : memref<125x128xf32, #tpu.memory_space<vmem>>) target(%dma_start3A_80 : memref<10240x128xf32, #tpu.memory_space<vmem_shared>>) offsets(%dma_start3A_77 : memref<125xi32, #tpu.memory_space<vmem>>) semaphore(%run_scoped3A_74 : memref<!tpu.dma_semaphore, #tpu.memory_space<semaphore_mem>>) {add = true}
      %dma_wait3A_81 = arith.constant 0 : i32
      %dma_wait3A_82 = tpu.memref_slice %arg6[%run_scoped3A_60, %dma_wait3A_81] : memref<40x125xi32, #tpu.memory_space<vmem>> -> memref<1x125xi32, #tpu.memory_space<vmem>>
      %dma_wait3A_83 = tpu.memref_squeeze %dma_wait3A_82 : memref<1x125xi32, #tpu.memory_space<vmem>> -> memref<125xi32, #tpu.memory_space<vmem>>
      %dma_wait3A_84 = arith.constant 0 : i32
      %dma_wait3A_85 = arith.constant 0 : i32
      %dma_wait3A_86 = tpu.memref_slice %arg9[%dma_wait3A_84, %dma_wait3A_85] : memref<10240x128xf32, #tpu.memory_space<vmem_shared>> -> memref<10240x128xf32, #tpu.memory_space<vmem_shared>>
      tpu.wait_indirect_dma semaphore(%run_scoped3A_74 : memref<!tpu.dma_semaphore, #tpu.memory_space<semaphore_mem>>) src(%arg7 : memref<125x128xf32, #tpu.memory_space<vmem>>) dst(%dma_wait3A_86 : memref<10240x128xf32, #tpu.memory_space<vmem_shared>>)
      tpu.yield
    }) : () -> ()
    %dma_wait3A_61 = arith.constant 39 : i32
    %dma_wait3A_62 = arith.constant 0 : i32
    %dma_wait3A_63 = tpu.memref_slice %arg5[%dma_wait3A_61, %dma_wait3A_62] : memref<40x125xi32, #tpu.memory_space<vmem>> -> memref<1x125xi32, #tpu.memory_space<vmem>>
    %dma_wait3A_64 = tpu.memref_squeeze %dma_wait3A_63 : memref<1x125xi32, #tpu.memory_space<vmem>> -> memref<125xi32, #tpu.memory_space<vmem>>
    %dma_wait3A_65 = arith.constant 0 : i32
    %dma_wait3A_66 = arith.constant 0 : i32
    %dma_wait3A_67 = tpu.memref_slice %arg2[%dma_wait3A_65, %dma_wait3A_66] : memref<10000x128xf32, #tpu.memory_space<hbm>> -> memref<10000x128xf32, #tpu.memory_space<hbm>>
    tpu.wait_indirect_dma semaphore(%arg11 : memref<!tpu.dma_semaphore, #tpu.memory_space<semaphore_mem>>) src(%dma_wait3A_67 : memref<10000x128xf32, #tpu.memory_space<hbm>>) dst(%arg8 : memref<125x128xf32, #tpu.memory_space<vmem>>)
    %run_scoped3A_68 = arith.constant 39 : i32
    "tpu.region"() ({
      %run_scoped3A_74 = tpu.sem_alloc : memref<!tpu.dma_semaphore, #tpu.memory_space<semaphore_mem>>
      %dma_start3A_75 = arith.constant 0 : i32
      %dma_start3A_76 = tpu.memref_slice %arg6[%run_scoped3A_68, %dma_start3A_75] : memref<40x125xi32, #tpu.memory_space<vmem>> -> memref<1x125xi32, #tpu.memory_space<vmem>>
      %dma_start3A_77 = tpu.memref_squeeze %dma_start3A_76 : memref<1x125xi32, #tpu.memory_space<vmem>> -> memref<125xi32, #tpu.memory_space<vmem>>
      %dma_start3A_78 = arith.constant 0 : i32
      %dma_start3A_79 = arith.constant 0 : i32
      %dma_start3A_80 = tpu.memref_slice %arg9[%dma_start3A_78, %dma_start3A_79] : memref<10240x128xf32, #tpu.memory_space<vmem_shared>> -> memref<10240x128xf32, #tpu.memory_space<vmem_shared>>
      tpu.enqueue_indirect_dma source(%arg8 : memref<125x128xf32, #tpu.memory_space<vmem>>) target(%dma_start3A_80 : memref<10240x128xf32, #tpu.memory_space<vmem_shared>>) offsets(%dma_start3A_77 : memref<125xi32, #tpu.memory_space<vmem>>) semaphore(%run_scoped3A_74 : memref<!tpu.dma_semaphore, #tpu.memory_space<semaphore_mem>>) {add = true}
      %dma_wait3A_81 = arith.constant 0 : i32
      %dma_wait3A_82 = tpu.memref_slice %arg6[%run_scoped3A_68, %dma_wait3A_81] : memref<40x125xi32, #tpu.memory_space<vmem>> -> memref<1x125xi32, #tpu.memory_space<vmem>>
      %dma_wait3A_83 = tpu.memref_squeeze %dma_wait3A_82 : memref<1x125xi32, #tpu.memory_space<vmem>> -> memref<125xi32, #tpu.memory_space<vmem>>
      %dma_wait3A_84 = arith.constant 0 : i32
      %dma_wait3A_85 = arith.constant 0 : i32
      %dma_wait3A_86 = tpu.memref_slice %arg9[%dma_wait3A_84, %dma_wait3A_85] : memref<10240x128xf32, #tpu.memory_space<vmem_shared>> -> memref<10240x128xf32, #tpu.memory_space<vmem_shared>>
      tpu.wait_indirect_dma semaphore(%run_scoped3A_74 : memref<!tpu.dma_semaphore, #tpu.memory_space<semaphore_mem>>) src(%arg8 : memref<125x128xf32, #tpu.memory_space<vmem>>) dst(%dma_wait3A_86 : memref<10240x128xf32, #tpu.memory_space<vmem_shared>>)
      tpu.yield
    }) : () -> ()
    %barrier3A_69 = arith.constant 0 : index
    tpu.barrier barrier_id(%barrier3A_69)
    %mul3A_70 = arith.constant 640 : i32
    %mul3A_71 = arith.muli %arg1, %mul3A_70 : i32
    %mul3A_72 = arith.constant 640 : i32
    %mul3A_73 = arith.muli %arg1, %mul3A_72 : i32
    "tpu.region"() ({
      %run_scoped3A_74 = tpu.sem_alloc : memref<!tpu.dma_semaphore, #tpu.memory_space<semaphore_mem>>
      %dma_start3A_75 = arith.constant 0 : i32
      %dma_start3A_76 = tpu.memref_slice %arg4[%arg0, %mul3A_73, %dma_start3A_75] : memref<2x10240x128xf32, #tpu.memory_space<hbm>> -> memref<1x640x128xf32, #tpu.memory_space<hbm>>
      %dma_start3A_77 = tpu.memref_squeeze %dma_start3A_76 : memref<1x640x128xf32, #tpu.memory_space<hbm>> -> memref<640x128xf32, #tpu.memory_space<hbm>>
      %dma_start3A_78 = arith.constant 0 : i32
      %dma_start3A_79 = tpu.memref_slice %arg9[%mul3A_71, %dma_start3A_78] : memref<10240x128xf32, #tpu.memory_space<vmem_shared>> -> memref<640x128xf32, #tpu.memory_space<vmem_shared>>
      tpu.enqueue_dma source(%dma_start3A_79 : memref<640x128xf32, #tpu.memory_space<vmem_shared>>) target(%dma_start3A_77 : memref<640x128xf32, #tpu.memory_space<hbm>>) target_semaphore(%run_scoped3A_74 : memref<!tpu.dma_semaphore, #tpu.memory_space<semaphore_mem>>)
      %dma_wait3A_80 = arith.constant 0 : i32
      %dma_wait3A_81 = tpu.memref_slice %arg4[%arg0, %mul3A_73, %dma_wait3A_80] : memref<2x10240x128xf32, #tpu.memory_space<hbm>> -> memref<1x640x128xf32, #tpu.memory_space<hbm>>
      %dma_wait3A_82 = tpu.memref_squeeze %dma_wait3A_81 : memref<1x640x128xf32, #tpu.memory_space<hbm>> -> memref<640x128xf32, #tpu.memory_space<hbm>>
      %dma_wait3A_83 = arith.constant 0 : i32
      %dma_wait3A_84 = tpu.memref_slice %arg9[%mul3A_71, %dma_wait3A_83] : memref<10240x128xf32, #tpu.memory_space<vmem_shared>> -> memref<640x128xf32, #tpu.memory_space<vmem_shared>>
      tpu.wait_dma2 semaphore(%run_scoped3A_74 : memref<!tpu.dma_semaphore, #tpu.memory_space<semaphore_mem>>) src(%dma_wait3A_84 : memref<640x128xf32, #tpu.memory_space<vmem_shared>>) dst(%dma_wait3A_82 : memref<640x128xf32, #tpu.memory_space<hbm>>)
      tpu.yield
    }) : () -> ()
    return
  }
}

module attributes {stable_mosaic.version = 14 : i64} {
  func.func @_fuse1_body(%arg0: i32, %arg1: memref<2x2000x128xf32, #tpu.memory_space<vmem>>, %arg2: memref<2000x128xf32, #tpu.memory_space<vmem>>, %arg3: memref<2000x1xf32, #tpu.memory_space<vmem>>, %arg4: memref<1x128xf32, #tpu.memory_space<vmem>>, %arg5: memref<2000x128xf32, #tpu.memory_space<vmem>>) attributes {dimension_semantics = [#tpu.dimension_semantics<arbitrary>], iteration_bounds = array<i64: 5>, scalar_prefetch = 0 : i64, scratch_operands = 0 : i64, tpu.core_type = #tpu.core_type<tc>, window_params = [{transform_indices = @transform_0, window_bounds = array<i64: 2, 2000, 128>}, {transform_indices = @transform_1, window_bounds = array<i64: 2000, 128>}, {transform_indices = @transform_2, window_bounds = array<i64: 2000, 1>}, {pipeline_mode = #tpu.pipeline_mode<synchronous>, transform_indices = @transform_3, window_bounds = array<i64: 1, 128>}, {transform_indices = @transform_4, window_bounds = array<i64: 2000, 128>}]} {
    %get3A = arith.constant 0 : index
    %get3A_0 = arith.constant 0 : index
    %get3A_1 = arith.constant 0 : index
    %get3A_2 = vector.load %arg1[%get3A, %get3A_0, %get3A_1] : memref<2x2000x128xf32, #tpu.memory_space<vmem>>, vector<1x2000x128xf32>
    %get3A_3 = vector.shape_cast %get3A_2 : vector<1x2000x128xf32> to vector<2000x128xf32>
    %get3A_4 = arith.constant 1 : index
    %get3A_5 = arith.constant 0 : index
    %get3A_6 = arith.constant 0 : index
    %get3A_7 = vector.load %arg1[%get3A_4, %get3A_5, %get3A_6] : memref<2x2000x128xf32, #tpu.memory_space<vmem>>, vector<1x2000x128xf32>
    %get3A_8 = vector.shape_cast %get3A_7 : vector<1x2000x128xf32> to vector<2000x128xf32>
    %add3A = arith.addf %get3A_3, %get3A_8 : vector<2000x128xf32>
    %get3A_9 = arith.constant 0 : index
    %get3A_10 = arith.constant 0 : index
    %get3A_11 = vector.load %arg2[%get3A_9, %get3A_10] : memref<2000x128xf32, #tpu.memory_space<vmem>>, vector<2000x128xf32>
    %add3A_12 = arith.addf %add3A, %get3A_11 : vector<2000x128xf32>
    %get3A_13 = arith.constant 0 : index
    %get3A_14 = arith.constant 0 : index
    %get3A_15 = vector.load %arg3[%get3A_13, %get3A_14] : memref<2000x1xf32, #tpu.memory_space<vmem>>, vector<2000x1xf32>
    %mul3A = vector.broadcast %get3A_15 : vector<2000x1xf32> to vector<2000x128xf32>
    %mul3A_16 = arith.mulf %add3A_12, %mul3A : vector<2000x128xf32>
    %get3A_17 = arith.constant 0 : index
    %get3A_18 = arith.constant 0 : index
    %get3A_19 = vector.load %arg4[%get3A_17, %get3A_18] : memref<1x128xf32, #tpu.memory_space<vmem>>, vector<1x128xf32>
    %add3A_20 = vector.broadcast %get3A_19 : vector<1x128xf32> to vector<2000x128xf32>
    %add3A_21 = arith.addf %mul3A_16, %add3A_20 : vector<2000x128xf32>
    %max3A = arith.constant 0.000000e+00 : f32
    %max3A_22 = vector.broadcast %max3A : f32 to vector<2000x128xf32>
    %max3A_23 = arith.maximumf %add3A_21, %max3A_22 : vector<2000x128xf32>
    %get3A_24 = arith.constant 0 : index
    %get3A_25 = arith.constant 0 : index
    %get3A_26 = vector.load %arg3[%get3A_24, %get3A_25] : memref<2000x1xf32, #tpu.memory_space<vmem>>, vector<2000x1xf32>
    %mul3A_27 = vector.broadcast %get3A_26 : vector<2000x1xf32> to vector<2000x128xf32>
    %mul3A_28 = arith.mulf %max3A_23, %mul3A_27 : vector<2000x128xf32>
    %swap3A = arith.constant 0 : index
    %swap3A_29 = arith.constant 0 : index
    %swap3A_30 = vector.load %arg5[%swap3A, %swap3A_29] : memref<2000x128xf32, #tpu.memory_space<vmem>>, vector<2000x128xf32>
    tpu.vector_store %arg5[%swap3A, %swap3A_29], %mul3A_28 {strides = array<i32>} : memref<2000x128xf32, #tpu.memory_space<vmem>>, vector<2000x128xf32>,
    return
  }
  func.func @transform_0(%arg0: i32) -> (i32, i32, i32) {
    %c0_i32 = arith.constant 0 : i32
    %c0_i32_0 = arith.constant 0 : i32
    %c0_i32_1 = arith.constant 0 : i32
    return %c0_i32, %arg0, %c0_i32_0 : i32, i32, i32
  }
  func.func @transform_1(%arg0: i32) -> (i32, i32) {
    %c0_i32 = arith.constant 0 : i32
    %c0_i32_0 = arith.constant 0 : i32
    return %arg0, %c0_i32 : i32, i32
  }
  func.func @transform_2(%arg0: i32) -> (i32, i32) {
    %c0_i32 = arith.constant 0 : i32
    %c0_i32_0 = arith.constant 0 : i32
    return %arg0, %c0_i32 : i32, i32
  }
  func.func @transform_3(%arg0: i32) -> (i32, i32) {
    %c0_i32 = arith.constant 0 : i32
    %c0_i32_0 = arith.constant 0 : i32
    %c0_i32_1 = arith.constant 0 : i32
    return %c0_i32, %c0_i32_0 : i32, i32
  }
  func.func @transform_4(%arg0: i32) -> (i32, i32) {
    %c0_i32 = arith.constant 0 : i32
    %c0_i32_0 = arith.constant 0 : i32
    return %arg0, %c0_i32 : i32, i32
  }
}

module attributes {stable_mosaic.version = 14 : i64} {
  func.func @_mm1_body(%arg0: i32, %arg1: memref<2x2048xf32, #tpu.memory_space<vmem>>, %arg2: memref<2048x256xf32, #tpu.memory_space<vmem>>, %arg3: memref<256x128xf32, #tpu.memory_space<vmem>>, %arg4: memref<2048x128xf32, #tpu.memory_space<vmem>>, %arg5: memref<2048x1xf32, #tpu.memory_space<vmem>>) attributes {dimension_semantics = [#tpu.dimension_semantics<arbitrary>], iteration_bounds = array<i64: 5>, scalar_prefetch = 0 : i64, scratch_operands = 0 : i64, tpu.core_type = #tpu.core_type<tc>, window_params = [{transform_indices = @transform_0, window_bounds = array<i64: 2, 2048>}, {transform_indices = @transform_1, window_bounds = array<i64: 2048, 256>}, {pipeline_mode = #tpu.pipeline_mode<synchronous>, transform_indices = @transform_2, window_bounds = array<i64: 256, 128>}, {transform_indices = @transform_3, window_bounds = array<i64: 2048, 128>}, {transform_indices = @transform_4, window_bounds = array<i64: 2048, 1>}]} {
    %get3A = arith.constant 0 : index
    %get3A_0 = arith.constant 0 : index
    %get3A_1 = vector.load %arg1[%get3A, %get3A_0] : memref<2x2048xf32, #tpu.memory_space<vmem>>, vector<1x2048xf32>
    %get3A_2 = vector.shape_cast %get3A_1 : vector<1x2048xf32> to vector<2048xf32>
    %add3A = arith.constant 1.000000e+00 : f32
    %add3A_3 = vector.broadcast %add3A : f32 to vector<2048xf32>
    %add3A_4 = arith.addf %add3A_3, %get3A_2 : vector<2048xf32>
    %get3A_5 = arith.constant 1 : index
    %get3A_6 = arith.constant 0 : index
    %get3A_7 = vector.load %arg1[%get3A_5, %get3A_6] : memref<2x2048xf32, #tpu.memory_space<vmem>>, vector<1x2048xf32>
    %get3A_8 = vector.shape_cast %get3A_7 : vector<1x2048xf32> to vector<2048xf32>
    %add3A_9 = arith.addf %add3A_4, %get3A_8 : vector<2048xf32>
    %rsqrt3A = math.rsqrt %add3A_9 : vector<2048xf32>
    %broadcast_in_dim3A = vector.shape_cast %rsqrt3A : vector<2048xf32> to vector<2048x1xf32>
    %swap3A = arith.constant 0 : index
    %swap3A_10 = arith.constant 0 : index
    %swap3A_11 = vector.load %arg5[%swap3A, %swap3A_10] : memref<2048x1xf32, #tpu.memory_space<vmem>>, vector<2048x1xf32>
    tpu.vector_store %arg5[%swap3A, %swap3A_10], %broadcast_in_dim3A {strides = array<i32>} : memref<2048x1xf32, #tpu.memory_space<vmem>>, vector<2048x1xf32>,
    %get3A_12 = arith.constant 0 : index
    %get3A_13 = arith.constant 0 : index
    %get3A_14 = vector.load %arg2[%get3A_12, %get3A_13] : memref<2048x256xf32, #tpu.memory_space<vmem>>, vector<2048x256xf32>
    %get3A_15 = arith.constant 0 : index
    %get3A_16 = arith.constant 0 : index
    %get3A_17 = vector.load %arg3[%get3A_15, %get3A_16] : memref<256x128xf32, #tpu.memory_space<vmem>>, vector<256x128xf32>
    %dot_general3A = arith.constant dense<0.000000e+00> : vector<2048x128xf32>
    %dot_general3A_18 = tpu.matmul %get3A_14, %get3A_17, %dot_general3A {dimension_numbers = #tpu.dot_dimension_numbers<[1], [0], [0], [1], [0, 0, 1, 1], [], []>, transpose_lhs_hint = false} : vector<2048x256xf32>, vector<256x128xf32>, vector<2048x128xf32> -> vector<2048x128xf32>
    %mul3A = vector.broadcast %broadcast_in_dim3A : vector<2048x1xf32> to vector<2048x128xf32>
    %mul3A_19 = arith.mulf %dot_general3A_18, %mul3A : vector<2048x128xf32>
    %swap3A_20 = arith.constant 0 : index
    %swap3A_21 = arith.constant 0 : index
    %swap3A_22 = vector.load %arg4[%swap3A_20, %swap3A_21] : memref<2048x128xf32, #tpu.memory_space<vmem>>, vector<2048x128xf32>
    tpu.vector_store %arg4[%swap3A_20, %swap3A_21], %mul3A_19 {strides = array<i32>} : memref<2048x128xf32, #tpu.memory_space<vmem>>, vector<2048x128xf32>,
    return
  }
  func.func @transform_0(%arg0: i32) -> (i32, i32) {
    %c0_i32 = arith.constant 0 : i32
    %c0_i32_0 = arith.constant 0 : i32
    return %c0_i32, %arg0 : i32, i32
  }
  func.func @transform_1(%arg0: i32) -> (i32, i32) {
    %c0_i32 = arith.constant 0 : i32
    %c0_i32_0 = arith.constant 0 : i32
    return %arg0, %c0_i32 : i32, i32
  }
  func.func @transform_2(%arg0: i32) -> (i32, i32) {
    %c0_i32 = arith.constant 0 : i32
    %c0_i32_0 = arith.constant 0 : i32
    %c0_i32_1 = arith.constant 0 : i32
    return %c0_i32, %c0_i32_0 : i32, i32
  }
  func.func @transform_3(%arg0: i32) -> (i32, i32) {
    %c0_i32 = arith.constant 0 : i32
    %c0_i32_0 = arith.constant 0 : i32
    return %arg0, %c0_i32 : i32, i32
  }
  func.func @transform_4(%arg0: i32) -> (i32, i32) {
    %c0_i32 = arith.constant 0 : i32
    %c0_i32_0 = arith.constant 0 : i32
    return %arg0, %c0_i32 : i32, i32
  }
}

module attributes {stable_mosaic.version = 14 : i64} {
  func.func @_fuse2_body(%arg0: i32, %arg1: memref<2x2000x128xf32, #tpu.memory_space<vmem>>, %arg2: memref<2000x128xf32, #tpu.memory_space<vmem>>, %arg3: memref<2000x1xf32, #tpu.memory_space<vmem>>, %arg4: memref<128x10xf32, #tpu.memory_space<vmem>>, %arg5: memref<1x10xf32, #tpu.memory_space<vmem>>, %arg6: memref<2000x10xf32, #tpu.memory_space<vmem>>) attributes {dimension_semantics = [#tpu.dimension_semantics<arbitrary>], iteration_bounds = array<i64: 5>, scalar_prefetch = 0 : i64, scratch_operands = 0 : i64, tpu.core_type = #tpu.core_type<tc>, window_params = [{transform_indices = @transform_0, window_bounds = array<i64: 2, 2000, 128>}, {transform_indices = @transform_1, window_bounds = array<i64: 2000, 128>}, {transform_indices = @transform_2, window_bounds = array<i64: 2000, 1>}, {pipeline_mode = #tpu.pipeline_mode<synchronous>, transform_indices = @transform_3, window_bounds = array<i64: 128, 10>}, {pipeline_mode = #tpu.pipeline_mode<synchronous>, transform_indices = @transform_4, window_bounds = array<i64: 1, 10>}, {transform_indices = @transform_5, window_bounds = array<i64: 2000, 10>}]} {
    %get3A = arith.constant 0 : index
    %get3A_0 = arith.constant 0 : index
    %get3A_1 = arith.constant 0 : index
    %get3A_2 = vector.load %arg1[%get3A, %get3A_0, %get3A_1] : memref<2x2000x128xf32, #tpu.memory_space<vmem>>, vector<1x2000x128xf32>
    %get3A_3 = vector.shape_cast %get3A_2 : vector<1x2000x128xf32> to vector<2000x128xf32>
    %get3A_4 = arith.constant 1 : index
    %get3A_5 = arith.constant 0 : index
    %get3A_6 = arith.constant 0 : index
    %get3A_7 = vector.load %arg1[%get3A_4, %get3A_5, %get3A_6] : memref<2x2000x128xf32, #tpu.memory_space<vmem>>, vector<1x2000x128xf32>
    %get3A_8 = vector.shape_cast %get3A_7 : vector<1x2000x128xf32> to vector<2000x128xf32>
    %add3A = arith.addf %get3A_3, %get3A_8 : vector<2000x128xf32>
    %get3A_9 = arith.constant 0 : index
    %get3A_10 = arith.constant 0 : index
    %get3A_11 = vector.load %arg2[%get3A_9, %get3A_10] : memref<2000x128xf32, #tpu.memory_space<vmem>>, vector<2000x128xf32>
    %add3A_12 = arith.addf %add3A, %get3A_11 : vector<2000x128xf32>
    %get3A_13 = arith.constant 0 : index
    %get3A_14 = arith.constant 0 : index
    %get3A_15 = vector.load %arg3[%get3A_13, %get3A_14] : memref<2000x1xf32, #tpu.memory_space<vmem>>, vector<2000x1xf32>
    %mul3A = vector.broadcast %get3A_15 : vector<2000x1xf32> to vector<2000x128xf32>
    %mul3A_16 = arith.mulf %add3A_12, %mul3A : vector<2000x128xf32>
    %get3A_17 = arith.constant 0 : index
    %get3A_18 = arith.constant 0 : index
    %get3A_19 = vector.load %arg4[%get3A_17, %get3A_18] : memref<128x10xf32, #tpu.memory_space<vmem>>, vector<128x10xf32>
    %dot_general3A = arith.constant dense<0.000000e+00> : vector<2000x10xf32>
    %dot_general3A_20 = tpu.matmul %mul3A_16, %get3A_19, %dot_general3A {dimension_numbers = #tpu.dot_dimension_numbers<[1], [0], [0], [1], [0, 0, 1, 1], [], []>, transpose_lhs_hint = false} : vector<2000x128xf32>, vector<128x10xf32>, vector<2000x10xf32> -> vector<2000x10xf32>
    %get3A_21 = arith.constant 0 : index
    %get3A_22 = arith.constant 0 : index
    %get3A_23 = vector.load %arg5[%get3A_21, %get3A_22] : memref<1x10xf32, #tpu.memory_space<vmem>>, vector<1x10xf32>
    %add3A_24 = vector.broadcast %get3A_23 : vector<1x10xf32> to vector<2000x10xf32>
    %add3A_25 = arith.addf %dot_general3A_20, %add3A_24 : vector<2000x10xf32>
    %swap3A = arith.constant 0 : index
    %swap3A_26 = arith.constant 0 : index
    %swap3A_27 = vector.load %arg6[%swap3A, %swap3A_26] : memref<2000x10xf32, #tpu.memory_space<vmem>>, vector<2000x10xf32>
    tpu.vector_store %arg6[%swap3A, %swap3A_26], %add3A_25 {strides = array<i32>} : memref<2000x10xf32, #tpu.memory_space<vmem>>, vector<2000x10xf32>,
    return
  }
  func.func @transform_0(%arg0: i32) -> (i32, i32, i32) {
    %c0_i32 = arith.constant 0 : i32
    %c0_i32_0 = arith.constant 0 : i32
    %c0_i32_1 = arith.constant 0 : i32
    return %c0_i32, %arg0, %c0_i32_0 : i32, i32, i32
  }
  func.func @transform_1(%arg0: i32) -> (i32, i32) {
    %c0_i32 = arith.constant 0 : i32
    %c0_i32_0 = arith.constant 0 : i32
    return %arg0, %c0_i32 : i32, i32
  }
  func.func @transform_2(%arg0: i32) -> (i32, i32) {
    %c0_i32 = arith.constant 0 : i32
    %c0_i32_0 = arith.constant 0 : i32
    return %arg0, %c0_i32 : i32, i32
  }
  func.func @transform_3(%arg0: i32) -> (i32, i32) {
    %c0_i32 = arith.constant 0 : i32
    %c0_i32_0 = arith.constant 0 : i32
    %c0_i32_1 = arith.constant 0 : i32
    return %c0_i32, %c0_i32_0 : i32, i32
  }
  func.func @transform_4(%arg0: i32) -> (i32, i32) {
    %c0_i32 = arith.constant 0 : i32
    %c0_i32_0 = arith.constant 0 : i32
    %c0_i32_1 = arith.constant 0 : i32
    return %c0_i32, %c0_i32_0 : i32, i32
  }
  func.func @transform_5(%arg0: i32) -> (i32, i32) {
    %c0_i32 = arith.constant 0 : i32
    %c0_i32_0 = arith.constant 0 : i32
    return %arg0, %c0_i32 : i32, i32
  }
}

</mosaic_0001>

<sc_bundles>
// kernel: kernel.11.cloned.1.call-start
scs
__scs_entry_jumppad:
0x0: {  	(pc) =	sbr.rel $0x88, $3  }
0x1: {  	(tag) =	ssettag $0x0;
	lr =	simm.s32 $0x1  }
0x2: {  	[smem:$0x3F9B] =	sst lr;
	_ =	strace $0xD0000000  }
0x3: {  	_ = 	snop  }
0x4: {  	_ = 	snop  }
0x5: {  	_ = 	snop  }
0x6: {  	_ = 	snop  }
0x7: {  	_ = 	snop  }
__scs_overlays_trampoline_lowered:
0x8: {  	[smem:$0x3FAA] =	sst s0  }
0x9: {  	[smem:$0x3FAB] =	sst s1  }
0xa: {  	[smem:$0x3FAC] =	sst s2  }
0xb: {  	[smem:$0x3FAD] =	sst s3  }
0xc: {  	[smem:$0x3FAE] =	sst s4  }
0xd: {  	[smem:$0x3FAF] =	sst s5  }
0xe: {  	[smem:$0x3FB0] =	sst s6  }
0xf: {  	[smem:$0x3FB1] =	sst s7  }
0x10: {  	[smem:$0x3FB2] =	sst s8  }
0x11: {  	[smem:$0x3FB3] =	sst s9;
	s0 =	simm.s32 @!p0 $0x0  }
0x12: {  	s1 =	sld [smem:$0x3F99];
	s0 =	simm.s32 @p0 $0x1  }
0x13: {  	[smem:$0x3FB4] =	sst s0;
	s0 =	simm.s32 @!p1 $0x0  }
0x14: {  	s2 =	sld [smem:$0x3F98];
	s0 =	simm.s32 @p1 $0x1  }
0x15: {  	[smem:$0x3FB5] =	sst s0;
	s0 =	simm.s32 @!p2 $0x0  }
0x16: {  	s3 =	sld [smem:$0x3FDB];
	s0 =	simm.s32 @p2 $0x1  }
0x17: {  	s4 =	simm.s32 $0x1BF5;
	[smem:$0x3FB7] =	sst s0  }
0x18: {  	s0 =	sld [smem:$0x3F9A];
	_ =	swait.ge [sflag:s4], $0x0  }
0x19: {  	s7 =	sld [smem:$0x3F9B]  }
0x1a: {  	s8 =	sadd.s32 $0xFFFFE003, lr  }
0x1b: {  	s9 =	sadd.s32 $0xFFFFFEF7, lr;
	s5 =	simm.s32 $0xFFFFFFFF;
	p2 =	slt.u32 s8, $0xFFFFF086  }
0x1c: {  	p1 =	slt.u32 s9, $0xF7A;
	s5 =	simm.s32 @!p2 $0x0  }
0x1d: {  	s5 =	simm.s32 @p1 $0x1;
	p0 =	seq.s32 s7, s2  }
0x1e: {  	s7 =	smul.u32 @!p0 $0xF7A, s2;
	p2 =	seq.s32 @!p0 s5, $0x0  }
0x1f: {  	s9 =	smul.u32 $0xF7A, s1;
	s8 =	simm.s32 @!p0 $0x1BF5;
	p2 =	por !p2, p0  }
0x20: {  	[sflag:s8] =	ssyncset.s32 @!p0 $0xFFFFF086;
	s6 =	sadd.s32 @!p0 s3, s7;
	s7 =	simm.s32 @!p0 $0x108  }
0x21: {  	s3 =	sadd.s32 s3, s9;
	s6 =	sadd.s32 @!p0 $0x88, s6;
	s7 =	simm.s32 @p2 $0x1082  }
0x22: {  	[simem:s7], [sflag:s8] =	dma.local @!p0 [hbm:s6], $0xF7A  }
0x23: {  	s9 =	sor.u32 $0xD0000000, s2;
	s6 =	simm.s32 $0x108;
	_ =	swait.ge @!p0 [sflag:s8], $0x0  }
0x24: {  	s3 =	sadd.s32 $0x88, s3;
	s6 =	simm.s32 @!p1 $0x1082;
	[sflag:s4] =	ssyncset.s32 $0xFFFFF086  }
0x25: {  	[simem:s6], [sflag:s4] =	dma.local [hbm:s3], $0xF7A  }
0x26: {  	[smem:$0x3F9B] =	sst s1;
	(tag) =	ssettag s2;
	_ =	strace s9  }
0x27: {  	s1 =	sld [smem:$0x3FAB]  }
0x28: {  	s2 =	sld [smem:$0x3FAC]  }
0x29: {  	s4 =	sld [smem:$0x3FAE]  }
0x2a: {  	p0 =	seq.s32 s5, $0x0;
	s5 =	sld [smem:$0x3FAF]  }
0x2b: {  	s6 =	sld [smem:$0x3FB0]  }
0x2c: {  	s7 =	sld [smem:$0x3FB1]  }
0x2d: {  	s3 =	simm.s32 $0x108;
	s8 =	sld [smem:$0x3FB2]  }
0x2e: {  	s3 =	simm.s32 @!p0 $0x1082;
	s9 =	sld [smem:$0x3FB3]  }
0x2f: {  	lr =	sadd.s32 s0, s3;
	s0 =	sld [smem:$0x3FAA]  }
0x30: {  	s3 =	sld [smem:$0x3FAD]  }
0x31: {  	[smem:$0x3FB6] =	sst s10  }
0x32: {  	s10 =	sld [smem:$0x3FB4];
	_ =	sdelay $0x3  }
0x33: {  	p0 =	seq.s32 s10, $0x1;
	s10 =	sld [smem:$0x3FB6];
	_ =	sdelay $0x3  }
0x34: {  	[smem:$0x3FB6] =	sst s10  }
0x35: {  	s10 =	sld [smem:$0x3FB5];
	_ =	sdelay $0x3  }
0x36: {  	p1 =	seq.s32 s10, $0x1;
	s10 =	sld [smem:$0x3FB6];
	_ =	sdelay $0x3  }
0x37: {  	[smem:$0x3FB6] =	sst s10  }
0x38: {  	s10 =	sld [smem:$0x3FB7]  }
0x39: {  	_ = 	snop;
	(pc) =	sbr.ind lr, $3  }
0x3a: {  	_ = 	snop  }
0x3b: {  	_ = 	snop  }
0x3c: {  	p2 =	seq.s32 s10, $0x1;
	s10 =	sld [smem:$0x3FB6]  }
0x3d: {  	_ =	shalt  }
0x3e: {  	_ =	shalt  }
0x3f: {  	_ =	shalt  }
0x40: {  	_ =	shalt  }
0x41: {  	_ =	shalt  }
0x42: {  	_ =	shalt  }
0x43: {  	_ =	shalt  }
0x44: {  	_ =	shalt  }
0x45: {  	_ =	shalt  }
0x46: {  	_ =	shalt  }
0x47: {  	_ =	shalt  }
0x48: {  	_ =	shalt  }
0x49: {  	_ =	shalt  }
0x4a: {  	_ =	shalt  }
0x4b: {  	_ =	shalt  }
0x4c: {  	_ =	shalt  }
0x4d: {  	_ =	shalt  }
0x4e: {  	_ =	shalt  }
0x4f: {  	_ =	shalt  }
0x50: {  	_ =	shalt  }
0x51: {  	_ =	shalt  }
0x52: {  	_ =	shalt  }
0x53: {  	_ =	shalt  }
0x54: {  	_ =	shalt  }
0x55: {  	_ =	shalt  }
0x56: {  	_ =	shalt  }
0x57: {  	_ =	shalt  }
0x58: {  	_ =	shalt  }
0x59: {  	_ =	shalt  }
0x5a: {  	_ =	shalt  }
0x5b: {  	_ =	shalt  }
0x5c: {  	_ =	shalt  }
0x5d: {  	_ =	shalt  }
0x5e: {  	_ =	shalt  }
0x5f: {  	_ =	shalt  }
0x60: {  	_ =	shalt  }
0x61: {  	_ =	shalt  }
0x62: {  	_ =	shalt  }
0x63: {  	_ =	shalt  }
0x64: {  	_ =	shalt  }
0x65: {  	_ =	shalt  }
0x66: {  	_ =	shalt  }
0x67: {  	_ =	shalt  }
0x68: {  	_ =	shalt  }
0x69: {  	_ =	shalt  }
0x6a: {  	_ =	shalt  }
0x6b: {  	_ =	shalt  }
0x6c: {  	_ =	shalt  }
0x6d: {  	_ =	shalt  }
0x6e: {  	_ =	shalt  }
0x6f: {  	_ =	shalt  }
0x70: {  	_ =	shalt  }
0x71: {  	_ =	shalt  }
0x72: {  	_ =	shalt  }
0x73: {  	_ =	shalt  }
0x74: {  	_ =	shalt  }
0x75: {  	_ =	shalt  }
0x76: {  	_ =	shalt  }
0x77: {  	_ =	shalt  }
0x78: {  	_ =	shalt  }
0x79: {  	_ =	shalt  }
0x7a: {  	_ =	shalt  }
0x7b: {  	_ =	shalt  }
0x7c: {  	_ =	shalt  }
0x7d: {  	_ =	shalt  }
0x7e: {  	_ =	shalt  }
0x7f: {  	_ =	shalt  }
0x80: {  	_ =	shalt  }
0x81: {  	_ =	shalt  }
0x82: {  	_ =	shalt  }
0x83: {  	_ =	shalt  }
0x84: {  	_ =	shalt  }
0x85: {  	_ =	shalt  }
0x86: {  	_ =	shalt  }
0x87: {  	_ =	shalt  }
.Lfunc_end0:
.L_simem_size_0:
called_computation.1_lowered:
.L_overlay_start_0:
0x88: {  	s2 =	sld [smem:$0x3FD9]  }
0x89: {  	s3 =	sld [smem:$0x3FFE];
	_ =	sdelay $0x1  }
0x8a: {  	s1 =	srdreg.scid  }
0x8b: {  	s0 =	sand.u32 $0x1, s1  }
0x8c: {  	s16 =	sshll.u32 s0, $0xA;
	s2 =	sadd.s32 s3, s2  }
0x8d: {  	s2 =	sadd.s32 s2, s16  }
0x8e: {  	[smem:$0x3FC2] =	sst s2  }
0x8f: {  	_ = 	snop  }
0x90: {  	(tm) =	ssettm $0x1  }
0x91: {  	s17 =	sld [smem:$0x3FFB];
	_ =	sdelay $0x3  }
0x92: {  	_ =	strace s17  }
0x93: {  	s2 =	sld [smem:$0x3FFC];
	_ =	sdelay $0x3  }
0x94: {  	_ =	strace s2  }
0x95: {  	s2 =	sld [smem:$0x3FFD];
	_ =	sdelay $0x3  }
0x96: {  	_ =	strace s2  }
0x97: {  	_ =	strace $0x8FFFFFFF  }
0x98: {  	s18 =	sld [smem:$0x3FDB];
	_ =	sdelay $0x1  }
0x99: {  	s19 =	simm.s32 $_scs_section_size  }
0x9a: {  	s4 =	simm.s32 $_size__tile_overlayer_lowered;
	s5 =	simm.s32 $_tile_overlayer_lowered  }
0x9b: {  	s22 =	simm.s32 $0x1BFF;
	s21 =	sshll.u32 s5, $0x1;
	s2 =	sadd.s32 s19, s18  }
0x9c: {  	s6 =	simm.s32 $0x0;
	s20 =	sshll.u32 s4, $0x1;
	s4 =	sadd.s32 s21, s2  }
0x9d: {  	[timem:s6], [sflag:s22] =	dma.local [hbm:s4], s20  }
0x9e: {  	_ =	swait.ge [sflag:s22], s20  }
0x9f: {  	s3 =	ssub.s32 $0x0, s20;
	[sflag:s22] =	ssyncset.done $0x0  }
0xa0: {  	[sflag:s22] =	ssyncadd.s32 s3;
	_ =	sdelay $0x1  }
0xa1: {  	s23 =	simm.s32 $0x1B8B  }
0xa2: {  	_ =	swait.ge [sflag:s23], $0x1  }
0xa3: {  	[sflag:s23] =	ssyncset.done $0x0  }
0xa4: {  	s25 =	simm.s32 $0x1B8E;
	s24 =	sld [smem:$0x3FFE];
	[sflag:s23] =	ssyncadd.s32 $0xFFFFFFFF  }
0xa5: {  	s26 =	simm.s32 $execute0_lowered;
	[smem:$0x3FD2] =	sst s25  }
0xa6: {  	s4 =	sshll.u32 s26, $0x1;
	_ =	strace $0x80000049;
	[dreg:$0x1] =	wrdreg $0xFFFFFFFF  }
0xa7: {  	s28 =	simm.s32 $_size_execute0_lowered;
	s2 =	sadd.s32 s2, s4;
	[dreg:$0x0] =	wrdreg $0x0  }
0xa8: {  	s4 =	sshll.u32 s28, $0x1;
	[dreg:$0x2] =	wrdreg s2  }
0xa9: {  	[dreg:$0x3] =	wrdreg s4  }
0xaa: {  	[dreg:$0x4] =	wrdreg $0xC0  }
0xab: {  	_ =	task [dreg:s6], $0x5FFFF  }
0xac: {  	[dreg:$0x1] =	wrdreg $0xFFFFFFFF  }
0xad: {  	[dreg:$0x0] =	wrdreg $0x60  }
0xae: {  	[dreg:$0x2] =	wrdreg s24  }
0xaf: {  	[dreg:$0x3] =	wrdreg $0xA8000  }
0xb0: {  	[dreg:$0x4] =	wrdreg $0x9  }
0xb1: {  	_ =	task.clear_ibuf [dreg:s6], $0x5FFFF;
	_ =	strace $0x90000049  }
0xb2: {  	s29 =	simm.s32 $0x9;
	_ =	strace $0x8000004B  }
0xb3: {  	_ =	swait.ge [sflag:s29], $0x1  }
0xb4: {  	[sflag:s29] =	ssyncadd.s32 $0xFFFFFFFF  }
0xb5: {  	_ =	strace $0x9000004B  }
0xb6: {  	_ =	sfence  }
0xb7: {  	s30 =	sld [smem:$0x0];
	_ =	sdelay $0x2  }
0xb8: {  	s31 =	sshll.u32 s1, $0xD;
	s1 =	sshrl.u32 s1, $0x2  }
0xb9: {  	s3 =	sand.u32 $0x4000, s31;
	s1 =	sadd.s32 s1, s30  }
0xba: {  	s0 =	sor.u32 s3, s0;
	s1 =	sshll.u32 s1, $0x11  }
0xbb: {  	s0 =	sor.u32 s1, s0  }
0xbc: {  	s0 =	sadd.s32 $0x8F2B, s0  }
0xbd: {  	[sflag:s0] =	ssyncadd.remote.s32 $0x1  }
0xbe: {  	_ =	sfence.sel $0xFFFF  }
0xbf: {  	[dreg:$0x0] =	wrdreg $0xFFFFFFFF;
	(pc) =	sbr.abs _section_cstart, $3  }
0xc0: {  	[dreg:$0x1] =	wrdreg $0xFFFFFFFF  }
0xc1: {  	_ =	task.clear_ibuf [dreg:s6], $0x2FFFF;
	_ =	strace $0x9FFFFFFF  }
0xc2: {  	(tm) =	ssettm $0x7FFFFFFF  }
0xc3: {  	_ =	shalt  }
tec
execute0_lowered:
.L_overlay_start_1:
0x0: {  	(tag) =	ssettag $0x1  }
0x1: {  	s6 =	rddreg [dreg:$0x0]  }
0x2: {  	s0 =	srdreg.scid;
	s2 =	rddreg [dreg:$0x1];
	s3 =	simm.s32 $0x0  }
0x3: {  	s15 =	simm.s32 $0x3;
	s16 =	simm.s32 $0x1400;
	s17 =	simm.s32 $0x2800  }
0x4: {  	s18 =	simm.s32 $0x7D;
	s19 =	simm.s32 $0x80;
	s20 =	simm.s32 $0x6800  }
0x5: {  	s21 =	simm.s32 $0x1;
	s22 =	simm.s32 $0x2;
	s23 =	simm.s32 $0x2700  }
0x6: {  	s24 =	simm.s32 $0x2780;
	s5 =	sand.u32 $0x1, s0;
	s0 =	stileid.u32  }
0x7: {  	s25 =	simm.s32 $0x0;
	[smem:$0x7FF] =	sst s3;
	s8 =	smul.u32 $0x140000, s5  }
0x8: {  	s4 =	sadd.s32 $0xC200, s6;
	s1 =	sshll.u32 s5, $0x4;
	s9 =	smul.u32 $0x14000, s0  }
0x9: {  	s5 =	ssub.s32 $0x2, s5;
	s30 =	smul.u32 $0x50000, s0;
	s1 =	sor.u32 s0, s1  }
0xa: {  	s10 =	sshrl.u32 s5, $0x1;
	s7 =	smul.u32 $0x1400, s1;
	s1 =	rddreg [dreg:$0x2]  }
0xb: {  	_ =	strace $0x8000004A;
	s8 =	sadd.s32 s9, s8;
	s14 =	ssub.s32 s5, s10  }
0xc: {  	s31 =	sshrl.u32 s30, $0x2;
	s8 =	sshrl.u32 s8, $0x3;
	s7 =	sshrl.u32 s7, $0x3  }
0xd: {  	s14 =	smax.u32 s14, $0x1;
	s13 =	sadd.s32 s8, s6;
	s7 =	sadd.s32 s7, s6  }
0xe: {  	s5 =	sadd.s32 $0x2200, s7;
	s6 =	sadd.s32 $0x7200, s7;
	s7 =	sadd.s32 s31, s2  }
0xf: {  	s13 =	sadd.s32 $0x33400, s13;
	s8 =	sadd.s32 $0x3E80, s7;
	s9 =	sadd.s32 $0x7D00, s7  }
0x10: {  	v0 =	vimm.f32 $0.0e+00;
	s10 =	sadd.s32 $0xBB80, s7;
	s11 =	sadd.s32 $0xFA00, s7;
	s12 =	sadd.s32 $0x13880, s7  }
.LBB2_1:
0x11: {  	[tilespmem:s3], [sflag:$0x3] =	stream.linear.gather [hbm4b:s5+s3], $0x1400, $0x38;
	[tilespmem:$0x1E800] =	vst v63  }
0x12: {  	_ =	swait.ge [sflag:s15], $0x1400  }
0x13: {  	[sflag:s15] =	ssyncset.done $0x0  }
0x14: {  	[sflag:s15] =	ssyncadd.s32 $0xFFFFEC00  }
0x15: {  	[tilespmem:s16], [sflag:$0x3] =	stream.linear.gather [hbm4b:s6+s3], $0x1400, $0x38;
	[tilespmem:$0x1E800] =	vst v63  }
0x16: {  	s26 =	sand.u32 $0xFE00, s3;
	s28 =	sand.u32 $0x70, s3;
	_ =	swait.ge [sflag:s15], $0x1400  }
0x17: {  	s29 =	sshrl.u32 s26, $0x2;
	s26 =	simm.s32 $0x40;
	[sflag:s15] =	ssyncset.done $0x0  }
0x18: {  	s29 =	sor.u32 s28, s29;
	s28 =	simm.s32 $0x0;
	[sflag:s15] =	ssyncadd.s32 $0xFFFFEC00  }
.LBB2_2:
0x19: {  	p0 =	sne.s32 s26, $0xF9C0  }
0x1a: {  	[tilespmem:s29+$0x2800] =	vst v0;
	s28 =	sadd.s32 $0x10, s28;
	s29 =	smov.u32 s26;
	s26 =	sadd.s32 $0x40, s26  }
.Ltmp0:
0x1b: {  	(pc) =	sbr.rel @p0 .LBB2_2-.Ltmp0, $4  }
0x1c: {  	_ = 	snop  }
0x1d: {  	s29 =	sand.u32 $0xFE00, s29  }
0x1e: {  	s30 =	sand.u32 $0x70, s28;
	s29 =	sshrl.u32 s29, $0x2  }
0x1f: {  	s29 =	sor.u32 s30, s29  }
0x20: {  	[tilespmem:s29+$0x2800] =	vst v0  }
0x21: {  	[spmem:s7] =	stream.linear.scatter [tilespmem:s17], [sflag:$0x3], $0x3E80, $0x38;
	[tilespmem:$0x1E800] =	vst v63  }
0x22: {  	_ =	swait.ge [sflag:s15], $0x3E80  }
0x23: {  	[sflag:s15] =	ssyncset.done $0x0  }
0x24: {  	[sflag:s15] =	ssyncadd.s32 $0xFFFFC180  }
0x25: {  	[spmem:s8] =	stream.linear.scatter [tilespmem:s17], [sflag:$0x3], $0x3E80, $0x38;
	[tilespmem:$0x1E800] =	vst v63  }
0x26: {  	_ =	swait.ge [sflag:s15], $0x3E80  }
0x27: {  	[sflag:s15] =	ssyncset.done $0x0  }
0x28: {  	[sflag:s15] =	ssyncadd.s32 $0xFFFFC180  }
0x29: {  	[spmem:s9] =	stream.linear.scatter [tilespmem:s17], [sflag:$0x3], $0x3E80, $0x38;
	[tilespmem:$0x1E800] =	vst v63  }
0x2a: {  	_ =	swait.ge [sflag:s15], $0x3E80  }
0x2b: {  	[sflag:s15] =	ssyncset.done $0x0  }
0x2c: {  	[sflag:s15] =	ssyncadd.s32 $0xFFFFC180  }
0x2d: {  	[spmem:s10] =	stream.linear.scatter [tilespmem:s17], [sflag:$0x3], $0x3E80, $0x38;
	[tilespmem:$0x1E800] =	vst v63  }
0x2e: {  	_ =	swait.ge [sflag:s15], $0x3E80  }
0x2f: {  	[sflag:s15] =	ssyncset.done $0x0  }
0x30: {  	[sflag:s15] =	ssyncadd.s32 $0xFFFFC180  }
0x31: {  	[spmem:s11] =	stream.linear.scatter [tilespmem:s17], [sflag:$0x3], $0x3E80, $0x38;
	[tilespmem:$0x1E800] =	vst v63  }
0x32: {  	_ =	swait.ge [sflag:s15], $0x3E80  }
0x33: {  	[sflag:s15] =	ssyncset.done $0x0  }
0x34: {  	[sflag:s15] =	ssyncadd.s32 $0xFFFFC180  }
0x35: {  	[spmem:s12] =	stream.linear.scatter [tilespmem:s17], [sflag:$0x3], $0x780, $0x38;
	[tilespmem:$0x1E800] =	vst v63  }
0x36: {  	_ =	swait.ge [sflag:s15], $0x780  }
0x37: {  	[sflag:s15] =	ssyncset.done $0x0  }
0x38: {  	s26 =	simm.s32 $0x0;
	[sflag:s15] =	ssyncadd.s32 $0xFFFFF880  }
0x39: {  	[tilespmem:s17], [sflag:$0x1] =	stream.indirect.gather [hbm4b:s4+s18], $0x80, s26, s18, $0xb8;
	[tilespmem:$0x1E800] =	vst v63  }
0x3a: {  	_ = 	snop  }
0x3b: {  	[tilespmem:s20], [sflag:$0x2] =	stream.indirect.gather [hbm4b:s4+s18], $0x80, s19, s18, $0xb8;
	[tilespmem:$0x1E800] =	vst v63  }
0x3c: {  	[bflag:$0x0] =	sbarrier.arrive $0xFFFF  }
0x3d: {  	_ =	swait.ge [sflag:s21], $0x3E80  }
0x3e: {  	[sflag:s21] =	ssyncset.done $0x0  }
0x3f: {  	s29 =	simm.s32 $0x1400;
	[sflag:s21] =	ssyncadd.s32 $0xFFFFC180  }
0x40: {  	[spmem:s2] =	stream.indirect.scatter.add.f32 [tilespmem:s17], [sflag:$0x3], $0x80, s29, s18, $0xb8;
	[tilespmem:$0x1E800] =	vst v63  }
0x41: {  	_ =	swait.ge [sflag:s15], $0x3E80  }
0x42: {  	[sflag:s15] =	ssyncset.done $0x0  }
0x43: {  	s30 =	simm.s32 $0x100;
	[sflag:s15] =	ssyncadd.s32 $0xFFFFC180  }
0x44: {  	[tilespmem:s17], [sflag:$0x1] =	stream.indirect.gather [hbm4b:s4+s18], $0x80, s30, s18, $0xb8;
	[tilespmem:$0x1E800] =	vst v63  }
0x45: {  	_ =	swait.ge [sflag:s22], $0x3E80  }
0x46: {  	[sflag:s22] =	ssyncset.done $0x0  }
0x47: {  	s31 =	simm.s32 $0x1480;
	[sflag:s22] =	ssyncadd.s32 $0xFFFFC180  }
0x48: {  	[spmem:s2] =	stream.indirect.scatter.add.f32 [tilespmem:s20], [sflag:$0x3], $0x80, s31, s18, $0xb8;
	[tilespmem:$0x1E800] =	vst v63  }
0x49: {  	_ =	swait.ge [sflag:s15], $0x3E80  }
0x4a: {  	[sflag:s15] =	ssyncset.done $0x0  }
0x4b: {  	s28 =	simm.s32 $0x180;
	s26 =	simm.s32 $0x400;
	[sflag:s15] =	ssyncadd.s32 $0xFFFFC180  }
.LBB2_4:
0x4c: {  	[tilespmem:s20], [sflag:$0x2] =	stream.indirect.gather [hbm4b:s4+s18], $0x80, s28, s18, $0xb8;
	[tilespmem:$0x1E800] =	vst v63  }
0x4d: {  	s28 =	smov.u32 s26  }
0x4e: {  	p0 =	sne.s32 s26, $0x4800;
	s26 =	sadd.s32 $0x400, s26;
	_ =	swait.ge [sflag:s21], $0x3E80  }
0x4f: {  	s28 =	sshra.s32 s28, $0x2;
	[sflag:s21] =	ssyncset.done $0x0  }
0x50: {  	s29 =	sadd.s32 $0x1400, s28;
	[sflag:s21] =	ssyncadd.s32 $0xFFFFC180  }
0x51: {  	[spmem:s2] =	stream.indirect.scatter.add.f32 [tilespmem:s17], [sflag:$0x3], $0x80, s29, s18, $0xb8;
	[tilespmem:$0x1E800] =	vst v63  }
0x52: {  	_ =	swait.ge [sflag:s15], $0x3E80  }
0x53: {  	[sflag:s15] =	ssyncset.done $0x0  }
0x54: {  	s29 =	sadd.s32 $0x100, s28;
	[sflag:s15] =	ssyncadd.s32 $0xFFFFC180  }
0x55: {  	[tilespmem:s17], [sflag:$0x1] =	stream.indirect.gather [hbm4b:s4+s18], $0x80, s29, s18, $0xb8;
	[tilespmem:$0x1E800] =	vst v63  }
0x56: {  	_ =	swait.ge [sflag:s22], $0x3E80  }
0x57: {  	[sflag:s22] =	ssyncset.done $0x0  }
.Ltmp1:
0x58: {  	s29 =	sadd.s32 $0x1480, s28;
	[sflag:s22] =	ssyncadd.s32 $0xFFFFC180;
	(pc) =	sbr.rel @p0 .LBB2_4-.Ltmp1, $4  }
0x59: {  	[spmem:s2] =	stream.indirect.scatter.add.f32 [tilespmem:s20], [sflag:$0x3], $0x80, s29, s18, $0xb8;
	[tilespmem:$0x1E800] =	vst v63  }
0x5a: {  	_ =	swait.ge [sflag:s15], $0x3E80  }
0x5b: {  	[sflag:s15] =	ssyncset.done $0x0  }
0x5c: {  	s28 =	sadd.s32 $0x180, s28;
	[sflag:s15] =	ssyncadd.s32 $0xFFFFC180  }
0x5d: {  	[tilespmem:s20], [sflag:$0x2] =	stream.indirect.gather [hbm4b:s4+s18], $0x80, s28, s18, $0xb8;
	[tilespmem:$0x1E800] =	vst v63  }
0x5e: {  	_ =	swait.ge [sflag:s21], $0x3E80  }
0x5f: {  	[sflag:s21] =	ssyncset.done $0x0  }
0x60: {  	[sflag:s21] =	ssyncadd.s32 $0xFFFFC180  }
0x61: {  	[spmem:s2] =	stream.indirect.scatter.add.f32 [tilespmem:s17], [sflag:$0x3], $0x80, s23, s18, $0xb8;
	[tilespmem:$0x1E800] =	vst v63  }
0x62: {  	_ =	swait.ge [sflag:s15], $0x3E80  }
0x63: {  	[sflag:s15] =	ssyncset.done $0x0  }
0x64: {  	[sflag:s15] =	ssyncadd.s32 $0xFFFFC180  }
0x65: {  	_ =	swait.ge [sflag:s22], $0x3E80  }
0x66: {  	[sflag:s22] =	ssyncset.done $0x0  }
0x67: {  	[sflag:s22] =	ssyncadd.s32 $0xFFFFC180  }
0x68: {  	[spmem:s2] =	stream.indirect.scatter.add.f32 [tilespmem:s20], [sflag:$0x3], $0x80, s24, s18, $0xb8;
	[tilespmem:$0x1E800] =	vst v63  }
0x69: {  	_ =	swait.ge [sflag:s15], $0x3E80  }
0x6a: {  	s26 =	sshll.u32 s0, $0x6;
	s25 =	sadd.s32 $0x1, s25;
	[sflag:s15] =	ssyncset.done $0x0  }
0x6b: {  	s31 =	sshrl.u32 s7, $0x3;
	p0 =	sne.s32 s25, s14;
	[sflag:s15] =	ssyncadd.s32 $0xFFFFC180  }
.Ltmp2:
0x6c: {  	s26 =	sor.u32 $0x1C03, s26;
	[bflag:$0x0] =	sbarrier.arrive $0xFFFF;
	(pc) =	sbr.rel @p0 .LBB2_1-.Ltmp2, $4  }
0x6d: {  	[hbm:s13], [sflag:s26] =	dma.local [spmem:s31], $0x2800  }
0x6e: {  	_ =	swait.ge [sflag:s15], $0x2800  }
0x6f: {  	[sflag:s15] =	ssyncset.done $0x0  }
0x70: {  	[sflag:s15] =	ssyncadd.s32 $0xFFFFD800  }
0x71: {  	_ =	sfence.sel $0x180000  }
0x72: {  	[bflag:$0x0] =	sbarrier.arrive $0xFFFF  }
0x73: {  	p0 =	sne.s32 s0, $0x0;
	_ =	strace $0x9000004A  }
0x74: {  	s0 =	sadd.s32 @!p0 $0x100000, s1;
	[bflag:$0x2] =	sbarrier.arrive $0xFFFF  }
0x75: {  	[sflag:s0] =	ssyncadd.tile.s32 @!p0 $0x1;
	_ =	shalt  }
.Lfunc_end2:
_tile_overlayer_lowered:
.L_overlay_start_2:
0x76: {  	(tag) =	ssettag $0x2  }
0x77: {  	s0 =	rddreg [dreg:$0x0];
	s2 =	stileid.u32  }
0x78: {  	s1 =	rddreg [dreg:$0x1];
	p0 =	sne.s32 s2, $0x0  }
0x79: {  	s3 =	rddreg [dreg:$0x2];
	[bflag:$0x3] =	sbarrier.arrive $0xFFFF;
	s2 =	simm.s32 @!p0 $0x1C03  }
0x7a: {  	[timem:s3], [sflag:s2] =	dma.local @!p0 [hbm:s0], s1  }
0x7b: {  	s0 =	simm.s32 @!p0 $0x3  }
0x7c: {  	_ =	swait.ge @!p0 [sflag:s0], s1  }
0x7d: {  	s1 =	ssub.s32 @!p0 $0x0, s1;
	[sflag:s0] =	ssyncset.done @!p0 $0x0  }
0x7e: {  	[sflag:s0] =	ssyncadd.s32 @!p0 s1  }
0x7f: {  	[bflag:$0x3] =	sbarrier.arrive $0xFFFF  }
0x80: {  	_ =	shalt  }

// kernel: kernel.14.cloned.1.call-start
scs
__scs_entry_jumppad:
0x0: {  	(pc) =	sbr.rel $0x88, $3  }
0x1: {  	(tag) =	ssettag $0x0;
	lr =	simm.s32 $0x1  }
0x2: {  	[smem:$0x3F9B] =	sst lr;
	_ =	strace $0xD0000000  }
0x3: {  	_ = 	snop  }
0x4: {  	_ = 	snop  }
0x5: {  	_ = 	snop  }
0x6: {  	_ = 	snop  }
0x7: {  	_ = 	snop  }
__scs_overlays_trampoline_lowered:
0x8: {  	[smem:$0x3FAA] =	sst s0  }
0x9: {  	[smem:$0x3FAB] =	sst s1  }
0xa: {  	[smem:$0x3FAC] =	sst s2  }
0xb: {  	[smem:$0x3FAD] =	sst s3  }
0xc: {  	[smem:$0x3FAE] =	sst s4  }
0xd: {  	[smem:$0x3FAF] =	sst s5  }
0xe: {  	[smem:$0x3FB0] =	sst s6  }
0xf: {  	[smem:$0x3FB1] =	sst s7  }
0x10: {  	[smem:$0x3FB2] =	sst s8  }
0x11: {  	[smem:$0x3FB3] =	sst s9;
	s0 =	simm.s32 @!p0 $0x0  }
0x12: {  	s1 =	sld [smem:$0x3F99];
	s0 =	simm.s32 @p0 $0x1  }
0x13: {  	[smem:$0x3FB4] =	sst s0;
	s0 =	simm.s32 @!p1 $0x0  }
0x14: {  	s2 =	sld [smem:$0x3F98];
	s0 =	simm.s32 @p1 $0x1  }
0x15: {  	[smem:$0x3FB5] =	sst s0;
	s0 =	simm.s32 @!p2 $0x0  }
0x16: {  	s3 =	sld [smem:$0x3FDB];
	s0 =	simm.s32 @p2 $0x1  }
0x17: {  	s4 =	simm.s32 $0x1BF5;
	[smem:$0x3FB7] =	sst s0  }
0x18: {  	s0 =	sld [smem:$0x3F9A];
	_ =	swait.ge [sflag:s4], $0x0  }
0x19: {  	s7 =	sld [smem:$0x3F9B]  }
0x1a: {  	s8 =	sadd.s32 $0xFFFFE003, lr  }
0x1b: {  	s9 =	sadd.s32 $0xFFFFFEF7, lr;
	s5 =	simm.s32 $0xFFFFFFFF;
	p2 =	slt.u32 s8, $0xFFFFF086  }
0x1c: {  	p1 =	slt.u32 s9, $0xF7A;
	s5 =	simm.s32 @!p2 $0x0  }
0x1d: {  	s5 =	simm.s32 @p1 $0x1;
	p0 =	seq.s32 s7, s2  }
0x1e: {  	s7 =	smul.u32 @!p0 $0xF7A, s2;
	p2 =	seq.s32 @!p0 s5, $0x0  }
0x1f: {  	s9 =	smul.u32 $0xF7A, s1;
	s8 =	simm.s32 @!p0 $0x1BF5;
	p2 =	por !p2, p0  }
0x20: {  	[sflag:s8] =	ssyncset.s32 @!p0 $0xFFFFF086;
	s6 =	sadd.s32 @!p0 s3, s7;
	s7 =	simm.s32 @!p0 $0x108  }
0x21: {  	s3 =	sadd.s32 s3, s9;
	s6 =	sadd.s32 @!p0 $0x88, s6;
	s7 =	simm.s32 @p2 $0x1082  }
0x22: {  	[simem:s7], [sflag:s8] =	dma.local @!p0 [hbm:s6], $0xF7A  }
0x23: {  	s9 =	sor.u32 $0xD0000000, s2;
	s6 =	simm.s32 $0x108;
	_ =	swait.ge @!p0 [sflag:s8], $0x0  }
0x24: {  	s3 =	sadd.s32 $0x88, s3;
	s6 =	simm.s32 @!p1 $0x1082;
	[sflag:s4] =	ssyncset.s32 $0xFFFFF086  }
0x25: {  	[simem:s6], [sflag:s4] =	dma.local [hbm:s3], $0xF7A  }
0x26: {  	[smem:$0x3F9B] =	sst s1;
	(tag) =	ssettag s2;
	_ =	strace s9  }
0x27: {  	s1 =	sld [smem:$0x3FAB]  }
0x28: {  	s2 =	sld [smem:$0x3FAC]  }
0x29: {  	s4 =	sld [smem:$0x3FAE]  }
0x2a: {  	p0 =	seq.s32 s5, $0x0;
	s5 =	sld [smem:$0x3FAF]  }
0x2b: {  	s6 =	sld [smem:$0x3FB0]  }
0x2c: {  	s7 =	sld [smem:$0x3FB1]  }
0x2d: {  	s3 =	simm.s32 $0x108;
	s8 =	sld [smem:$0x3FB2]  }
0x2e: {  	s3 =	simm.s32 @!p0 $0x1082;
	s9 =	sld [smem:$0x3FB3]  }
0x2f: {  	lr =	sadd.s32 s0, s3;
	s0 =	sld [smem:$0x3FAA]  }
0x30: {  	s3 =	sld [smem:$0x3FAD]  }
0x31: {  	[smem:$0x3FB6] =	sst s10  }
0x32: {  	s10 =	sld [smem:$0x3FB4];
	_ =	sdelay $0x3  }
0x33: {  	p0 =	seq.s32 s10, $0x1;
	s10 =	sld [smem:$0x3FB6];
	_ =	sdelay $0x3  }
0x34: {  	[smem:$0x3FB6] =	sst s10  }
0x35: {  	s10 =	sld [smem:$0x3FB5];
	_ =	sdelay $0x3  }
0x36: {  	p1 =	seq.s32 s10, $0x1;
	s10 =	sld [smem:$0x3FB6];
	_ =	sdelay $0x3  }
0x37: {  	[smem:$0x3FB6] =	sst s10  }
0x38: {  	s10 =	sld [smem:$0x3FB7]  }
0x39: {  	_ = 	snop;
	(pc) =	sbr.ind lr, $3  }
0x3a: {  	_ = 	snop  }
0x3b: {  	_ = 	snop  }
0x3c: {  	p2 =	seq.s32 s10, $0x1;
	s10 =	sld [smem:$0x3FB6]  }
0x3d: {  	_ =	shalt  }
0x3e: {  	_ =	shalt  }
0x3f: {  	_ =	shalt  }
0x40: {  	_ =	shalt  }
0x41: {  	_ =	shalt  }
0x42: {  	_ =	shalt  }
0x43: {  	_ =	shalt  }
0x44: {  	_ =	shalt  }
0x45: {  	_ =	shalt  }
0x46: {  	_ =	shalt  }
0x47: {  	_ =	shalt  }
0x48: {  	_ =	shalt  }
0x49: {  	_ =	shalt  }
0x4a: {  	_ =	shalt  }
0x4b: {  	_ =	shalt  }
0x4c: {  	_ =	shalt  }
0x4d: {  	_ =	shalt  }
0x4e: {  	_ =	shalt  }
0x4f: {  	_ =	shalt  }
0x50: {  	_ =	shalt  }
0x51: {  	_ =	shalt  }
0x52: {  	_ =	shalt  }
0x53: {  	_ =	shalt  }
0x54: {  	_ =	shalt  }
0x55: {  	_ =	shalt  }
0x56: {  	_ =	shalt  }
0x57: {  	_ =	shalt  }
0x58: {  	_ =	shalt  }
0x59: {  	_ =	shalt  }
0x5a: {  	_ =	shalt  }
0x5b: {  	_ =	shalt  }
0x5c: {  	_ =	shalt  }
0x5d: {  	_ =	shalt  }
0x5e: {  	_ =	shalt  }
0x5f: {  	_ =	shalt  }
0x60: {  	_ =	shalt  }
0x61: {  	_ =	shalt  }
0x62: {  	_ =	shalt  }
0x63: {  	_ =	shalt  }
0x64: {  	_ =	shalt  }
0x65: {  	_ =	shalt  }
0x66: {  	_ =	shalt  }
0x67: {  	_ =	shalt  }
0x68: {  	_ =	shalt  }
0x69: {  	_ =	shalt  }
0x6a: {  	_ =	shalt  }
0x6b: {  	_ =	shalt  }
0x6c: {  	_ =	shalt  }
0x6d: {  	_ =	shalt  }
0x6e: {  	_ =	shalt  }
0x6f: {  	_ =	shalt  }
0x70: {  	_ =	shalt  }
0x71: {  	_ =	shalt  }
0x72: {  	_ =	shalt  }
0x73: {  	_ =	shalt  }
0x74: {  	_ =	shalt  }
0x75: {  	_ =	shalt  }
0x76: {  	_ =	shalt  }
0x77: {  	_ =	shalt  }
0x78: {  	_ =	shalt  }
0x79: {  	_ =	shalt  }
0x7a: {  	_ =	shalt  }
0x7b: {  	_ =	shalt  }
0x7c: {  	_ =	shalt  }
0x7d: {  	_ =	shalt  }
0x7e: {  	_ =	shalt  }
0x7f: {  	_ =	shalt  }
0x80: {  	_ =	shalt  }
0x81: {  	_ =	shalt  }
0x82: {  	_ =	shalt  }
0x83: {  	_ =	shalt  }
0x84: {  	_ =	shalt  }
0x85: {  	_ =	shalt  }
0x86: {  	_ =	shalt  }
0x87: {  	_ =	shalt  }
.Lfunc_end0:
.L_simem_size_0:
called_computation.2_lowered:
.L_overlay_start_0:
0x88: {  	s2 =	sld [smem:$0x3FD9]  }
0x89: {  	s3 =	sld [smem:$0x3FFE];
	_ =	sdelay $0x1  }
0x8a: {  	s1 =	srdreg.scid  }
0x8b: {  	s0 =	sand.u32 $0x1, s1  }
0x8c: {  	s16 =	sshll.u32 s0, $0xA;
	s2 =	sadd.s32 s3, s2  }
0x8d: {  	s2 =	sadd.s32 s2, s16  }
0x8e: {  	[smem:$0x3FC2] =	sst s2  }
0x8f: {  	_ = 	snop  }
0x90: {  	(tm) =	ssettm $0x1  }
0x91: {  	s17 =	sld [smem:$0x3FFB];
	_ =	sdelay $0x3  }
0x92: {  	_ =	strace s17  }
0x93: {  	s2 =	sld [smem:$0x3FFC];
	_ =	sdelay $0x3  }
0x94: {  	_ =	strace s2  }
0x95: {  	s2 =	sld [smem:$0x3FFD];
	_ =	sdelay $0x3  }
0x96: {  	_ =	strace s2  }
0x97: {  	_ =	strace $0x8FFFFFFF  }
0x98: {  	s18 =	sld [smem:$0x3FDB];
	_ =	sdelay $0x1  }
0x99: {  	s19 =	simm.s32 $_scs_section_size  }
0x9a: {  	s4 =	simm.s32 $_size__tile_overlayer_lowered;
	s5 =	simm.s32 $_tile_overlayer_lowered  }
0x9b: {  	s22 =	simm.s32 $0x1BFF;
	s21 =	sshll.u32 s5, $0x1;
	s2 =	sadd.s32 s19, s18  }
0x9c: {  	s6 =	simm.s32 $0x0;
	s20 =	sshll.u32 s4, $0x1;
	s4 =	sadd.s32 s21, s2  }
0x9d: {  	[timem:s6], [sflag:s22] =	dma.local [hbm:s4], s20  }
0x9e: {  	_ =	swait.ge [sflag:s22], s20  }
0x9f: {  	s3 =	ssub.s32 $0x0, s20;
	[sflag:s22] =	ssyncset.done $0x0  }
0xa0: {  	[sflag:s22] =	ssyncadd.s32 s3;
	_ =	sdelay $0x1  }
0xa1: {  	s23 =	simm.s32 $0x1B8B  }
0xa2: {  	_ =	swait.ge [sflag:s23], $0x1  }
0xa3: {  	[sflag:s23] =	ssyncset.done $0x0  }
0xa4: {  	s25 =	simm.s32 $0x1B8E;
	s24 =	sld [smem:$0x3FFE];
	[sflag:s23] =	ssyncadd.s32 $0xFFFFFFFF  }
0xa5: {  	s26 =	simm.s32 $execute0_lowered;
	[smem:$0x3FD2] =	sst s25  }
0xa6: {  	s4 =	sshll.u32 s26, $0x1;
	_ =	strace $0x8000004C;
	[dreg:$0x1] =	wrdreg $0xFFFFFFFF  }
0xa7: {  	s28 =	simm.s32 $_size_execute0_lowered;
	s2 =	sadd.s32 s2, s4;
	[dreg:$0x0] =	wrdreg $0x0  }
0xa8: {  	s4 =	sshll.u32 s28, $0x1;
	[dreg:$0x2] =	wrdreg s2  }
0xa9: {  	[dreg:$0x3] =	wrdreg s4  }
0xaa: {  	[dreg:$0x4] =	wrdreg $0xC0  }
0xab: {  	_ =	task [dreg:s6], $0x5FFFF  }
0xac: {  	[dreg:$0x1] =	wrdreg $0xFFFFFFFF  }
0xad: {  	[dreg:$0x0] =	wrdreg $0x60  }
0xae: {  	[dreg:$0x2] =	wrdreg s24  }
0xaf: {  	[dreg:$0x3] =	wrdreg $0xA8000  }
0xb0: {  	[dreg:$0x4] =	wrdreg $0x9  }
0xb1: {  	_ =	task.clear_ibuf [dreg:s6], $0x5FFFF;
	_ =	strace $0x9000004C  }
0xb2: {  	s29 =	simm.s32 $0x9;
	_ =	strace $0x8000004E  }
0xb3: {  	_ =	swait.ge [sflag:s29], $0x1  }
0xb4: {  	[sflag:s29] =	ssyncadd.s32 $0xFFFFFFFF  }
0xb5: {  	_ =	strace $0x9000004E  }
0xb6: {  	_ =	sfence  }
0xb7: {  	s30 =	sld [smem:$0x0];
	_ =	sdelay $0x2  }
0xb8: {  	s31 =	sshll.u32 s1, $0xD;
	s1 =	sshrl.u32 s1, $0x2  }
0xb9: {  	s3 =	sand.u32 $0x4000, s31;
	s1 =	sadd.s32 s1, s30  }
0xba: {  	s0 =	sor.u32 s3, s0;
	s1 =	sshll.u32 s1, $0x11  }
0xbb: {  	s0 =	sor.u32 s1, s0  }
0xbc: {  	s0 =	sadd.s32 $0x8F2B, s0  }
0xbd: {  	[sflag:s0] =	ssyncadd.remote.s32 $0x1  }
0xbe: {  	_ =	sfence.sel $0xFFFF  }
0xbf: {  	[dreg:$0x0] =	wrdreg $0xFFFFFFFF;
	(pc) =	sbr.abs _section_cstart, $3  }
0xc0: {  	[dreg:$0x1] =	wrdreg $0xFFFFFFFF  }
0xc1: {  	_ =	task.clear_ibuf [dreg:s6], $0x2FFFF;
	_ =	strace $0x9FFFFFFF  }
0xc2: {  	(tm) =	ssettm $0x7FFFFFFF  }
0xc3: {  	_ =	shalt  }
tec
execute0_lowered:
.L_overlay_start_1:
0x0: {  	(tag) =	ssettag $0x1  }
0x1: {  	s6 =	rddreg [dreg:$0x0]  }
0x2: {  	s0 =	srdreg.scid;
	s2 =	rddreg [dreg:$0x1];
	s3 =	simm.s32 $0x0  }
0x3: {  	s15 =	simm.s32 $0x3;
	s16 =	simm.s32 $0x1400;
	s17 =	simm.s32 $0x2800  }
0x4: {  	s18 =	simm.s32 $0x7D;
	s19 =	simm.s32 $0x80;
	s20 =	simm.s32 $0x6800  }
0x5: {  	s21 =	simm.s32 $0x1;
	s22 =	simm.s32 $0x2;
	s23 =	simm.s32 $0x2700  }
0x6: {  	s24 =	simm.s32 $0x2780;
	s5 =	sand.u32 $0x1, s0;
	s0 =	stileid.u32  }
0x7: {  	s25 =	simm.s32 $0x0;
	[smem:$0x7FF] =	sst s3;
	s8 =	smul.u32 $0x140000, s5  }
0x8: {  	s4 =	sadd.s32 $0xC200, s6;
	s1 =	sshll.u32 s5, $0x4;
	s9 =	smul.u32 $0x14000, s0  }
0x9: {  	s5 =	ssub.s32 $0x2, s5;
	s30 =	smul.u32 $0x50000, s0;
	s1 =	sor.u32 s0, s1  }
0xa: {  	s10 =	sshrl.u32 s5, $0x1;
	s7 =	smul.u32 $0x1400, s1;
	s1 =	rddreg [dreg:$0x2]  }
0xb: {  	_ =	strace $0x8000004D;
	s8 =	sadd.s32 s9, s8;
	s14 =	ssub.s32 s5, s10  }
0xc: {  	s31 =	sshrl.u32 s30, $0x2;
	s8 =	sshrl.u32 s8, $0x3;
	s7 =	sshrl.u32 s7, $0x3  }
0xd: {  	s14 =	smax.u32 s14, $0x1;
	s13 =	sadd.s32 s8, s6;
	s7 =	sadd.s32 s7, s6  }
0xe: {  	s5 =	sadd.s32 $0x2200, s7;
	s6 =	sadd.s32 $0x7200, s7;
	s7 =	sadd.s32 s31, s2  }
0xf: {  	s13 =	sadd.s32 $0x33400, s13;
	s8 =	sadd.s32 $0x3E80, s7;
	s9 =	sadd.s32 $0x7D00, s7  }
0x10: {  	v0 =	vimm.f32 $0.0e+00;
	s10 =	sadd.s32 $0xBB80, s7;
	s11 =	sadd.s32 $0xFA00, s7;
	s12 =	sadd.s32 $0x13880, s7  }
.LBB2_1:
0x11: {  	[tilespmem:s3], [sflag:$0x3] =	stream.linear.gather [hbm4b:s5+s3], $0x1400, $0x38;
	[tilespmem:$0x1E800] =	vst v63  }
0x12: {  	_ =	swait.ge [sflag:s15], $0x1400  }
0x13: {  	[sflag:s15] =	ssyncset.done $0x0  }
0x14: {  	[sflag:s15] =	ssyncadd.s32 $0xFFFFEC00  }
0x15: {  	[tilespmem:s16], [sflag:$0x3] =	stream.linear.gather [hbm4b:s6+s3], $0x1400, $0x38;
	[tilespmem:$0x1E800] =	vst v63  }
0x16: {  	s26 =	sand.u32 $0xFE00, s3;
	s28 =	sand.u32 $0x70, s3;
	_ =	swait.ge [sflag:s15], $0x1400  }
0x17: {  	s29 =	sshrl.u32 s26, $0x2;
	s26 =	simm.s32 $0x40;
	[sflag:s15] =	ssyncset.done $0x0  }
0x18: {  	s29 =	sor.u32 s28, s29;
	s28 =	simm.s32 $0x0;
	[sflag:s15] =	ssyncadd.s32 $0xFFFFEC00  }
.LBB2_2:
0x19: {  	p0 =	sne.s32 s26, $0xF9C0  }
0x1a: {  	[tilespmem:s29+$0x2800] =	vst v0;
	s28 =	sadd.s32 $0x10, s28;
	s29 =	smov.u32 s26;
	s26 =	sadd.s32 $0x40, s26  }
.Ltmp0:
0x1b: {  	(pc) =	sbr.rel @p0 .LBB2_2-.Ltmp0, $4  }
0x1c: {  	_ = 	snop  }
0x1d: {  	s29 =	sand.u32 $0xFE00, s29  }
0x1e: {  	s30 =	sand.u32 $0x70, s28;
	s29 =	sshrl.u32 s29, $0x2  }
0x1f: {  	s29 =	sor.u32 s30, s29  }
0x20: {  	[tilespmem:s29+$0x2800] =	vst v0  }
0x21: {  	[spmem:s7] =	stream.linear.scatter [tilespmem:s17], [sflag:$0x3], $0x3E80, $0x38;
	[tilespmem:$0x1E800] =	vst v63  }
0x22: {  	_ =	swait.ge [sflag:s15], $0x3E80  }
0x23: {  	[sflag:s15] =	ssyncset.done $0x0  }
0x24: {  	[sflag:s15] =	ssyncadd.s32 $0xFFFFC180  }
0x25: {  	[spmem:s8] =	stream.linear.scatter [tilespmem:s17], [sflag:$0x3], $0x3E80, $0x38;
	[tilespmem:$0x1E800] =	vst v63  }
0x26: {  	_ =	swait.ge [sflag:s15], $0x3E80  }
0x27: {  	[sflag:s15] =	ssyncset.done $0x0  }
0x28: {  	[sflag:s15] =	ssyncadd.s32 $0xFFFFC180  }
0x29: {  	[spmem:s9] =	stream.linear.scatter [tilespmem:s17], [sflag:$0x3], $0x3E80, $0x38;
	[tilespmem:$0x1E800] =	vst v63  }
0x2a: {  	_ =	swait.ge [sflag:s15], $0x3E80  }
0x2b: {  	[sflag:s15] =	ssyncset.done $0x0  }
0x2c: {  	[sflag:s15] =	ssyncadd.s32 $0xFFFFC180  }
0x2d: {  	[spmem:s10] =	stream.linear.scatter [tilespmem:s17], [sflag:$0x3], $0x3E80, $0x38;
	[tilespmem:$0x1E800] =	vst v63  }
0x2e: {  	_ =	swait.ge [sflag:s15], $0x3E80  }
0x2f: {  	[sflag:s15] =	ssyncset.done $0x0  }
0x30: {  	[sflag:s15] =	ssyncadd.s32 $0xFFFFC180  }
0x31: {  	[spmem:s11] =	stream.linear.scatter [tilespmem:s17], [sflag:$0x3], $0x3E80, $0x38;
	[tilespmem:$0x1E800] =	vst v63  }
0x32: {  	_ =	swait.ge [sflag:s15], $0x3E80  }
0x33: {  	[sflag:s15] =	ssyncset.done $0x0  }
0x34: {  	[sflag:s15] =	ssyncadd.s32 $0xFFFFC180  }
0x35: {  	[spmem:s12] =	stream.linear.scatter [tilespmem:s17], [sflag:$0x3], $0x780, $0x38;
	[tilespmem:$0x1E800] =	vst v63  }
0x36: {  	_ =	swait.ge [sflag:s15], $0x780  }
0x37: {  	[sflag:s15] =	ssyncset.done $0x0  }
0x38: {  	s26 =	simm.s32 $0x0;
	[sflag:s15] =	ssyncadd.s32 $0xFFFFF880  }
0x39: {  	[tilespmem:s17], [sflag:$0x1] =	stream.indirect.gather [hbm4b:s4+s18], $0x80, s26, s18, $0xb8;
	[tilespmem:$0x1E800] =	vst v63  }
0x3a: {  	_ = 	snop  }
0x3b: {  	[tilespmem:s20], [sflag:$0x2] =	stream.indirect.gather [hbm4b:s4+s18], $0x80, s19, s18, $0xb8;
	[tilespmem:$0x1E800] =	vst v63  }
0x3c: {  	[bflag:$0x0] =	sbarrier.arrive $0xFFFF  }
0x3d: {  	_ =	swait.ge [sflag:s21], $0x3E80  }
0x3e: {  	[sflag:s21] =	ssyncset.done $0x0  }
0x3f: {  	s29 =	simm.s32 $0x1400;
	[sflag:s21] =	ssyncadd.s32 $0xFFFFC180  }
0x40: {  	[spmem:s2] =	stream.indirect.scatter.add.f32 [tilespmem:s17], [sflag:$0x3], $0x80, s29, s18, $0xb8;
	[tilespmem:$0x1E800] =	vst v63  }
0x41: {  	_ =	swait.ge [sflag:s15], $0x3E80  }
0x42: {  	[sflag:s15] =	ssyncset.done $0x0  }
0x43: {  	s30 =	simm.s32 $0x100;
	[sflag:s15] =	ssyncadd.s32 $0xFFFFC180  }
0x44: {  	[tilespmem:s17], [sflag:$0x1] =	stream.indirect.gather [hbm4b:s4+s18], $0x80, s30, s18, $0xb8;
	[tilespmem:$0x1E800] =	vst v63  }
0x45: {  	_ =	swait.ge [sflag:s22], $0x3E80  }
0x46: {  	[sflag:s22] =	ssyncset.done $0x0  }
0x47: {  	s31 =	simm.s32 $0x1480;
	[sflag:s22] =	ssyncadd.s32 $0xFFFFC180  }
0x48: {  	[spmem:s2] =	stream.indirect.scatter.add.f32 [tilespmem:s20], [sflag:$0x3], $0x80, s31, s18, $0xb8;
	[tilespmem:$0x1E800] =	vst v63  }
0x49: {  	_ =	swait.ge [sflag:s15], $0x3E80  }
0x4a: {  	[sflag:s15] =	ssyncset.done $0x0  }
0x4b: {  	s28 =	simm.s32 $0x180;
	s26 =	simm.s32 $0x400;
	[sflag:s15] =	ssyncadd.s32 $0xFFFFC180  }
.LBB2_4:
0x4c: {  	[tilespmem:s20], [sflag:$0x2] =	stream.indirect.gather [hbm4b:s4+s18], $0x80, s28, s18, $0xb8;
	[tilespmem:$0x1E800] =	vst v63  }
0x4d: {  	s28 =	smov.u32 s26  }
0x4e: {  	p0 =	sne.s32 s26, $0x4800;
	s26 =	sadd.s32 $0x400, s26;
	_ =	swait.ge [sflag:s21], $0x3E80  }
0x4f: {  	s28 =	sshra.s32 s28, $0x2;
	[sflag:s21] =	ssyncset.done $0x0  }
0x50: {  	s29 =	sadd.s32 $0x1400, s28;
	[sflag:s21] =	ssyncadd.s32 $0xFFFFC180  }
0x51: {  	[spmem:s2] =	stream.indirect.scatter.add.f32 [tilespmem:s17], [sflag:$0x3], $0x80, s29, s18, $0xb8;
	[tilespmem:$0x1E800] =	vst v63  }
0x52: {  	_ =	swait.ge [sflag:s15], $0x3E80  }
0x53: {  	[sflag:s15] =	ssyncset.done $0x0  }
0x54: {  	s29 =	sadd.s32 $0x100, s28;
	[sflag:s15] =	ssyncadd.s32 $0xFFFFC180  }
0x55: {  	[tilespmem:s17], [sflag:$0x1] =	stream.indirect.gather [hbm4b:s4+s18], $0x80, s29, s18, $0xb8;
	[tilespmem:$0x1E800] =	vst v63  }
0x56: {  	_ =	swait.ge [sflag:s22], $0x3E80  }
0x57: {  	[sflag:s22] =	ssyncset.done $0x0  }
.Ltmp1:
0x58: {  	s29 =	sadd.s32 $0x1480, s28;
	[sflag:s22] =	ssyncadd.s32 $0xFFFFC180;
	(pc) =	sbr.rel @p0 .LBB2_4-.Ltmp1, $4  }
0x59: {  	[spmem:s2] =	stream.indirect.scatter.add.f32 [tilespmem:s20], [sflag:$0x3], $0x80, s29, s18, $0xb8;
	[tilespmem:$0x1E800] =	vst v63  }
0x5a: {  	_ =	swait.ge [sflag:s15], $0x3E80  }
0x5b: {  	[sflag:s15] =	ssyncset.done $0x0  }
0x5c: {  	s28 =	sadd.s32 $0x180, s28;
	[sflag:s15] =	ssyncadd.s32 $0xFFFFC180  }
0x5d: {  	[tilespmem:s20], [sflag:$0x2] =	stream.indirect.gather [hbm4b:s4+s18], $0x80, s28, s18, $0xb8;
	[tilespmem:$0x1E800] =	vst v63  }
0x5e: {  	_ =	swait.ge [sflag:s21], $0x3E80  }
0x5f: {  	[sflag:s21] =	ssyncset.done $0x0  }
0x60: {  	[sflag:s21] =	ssyncadd.s32 $0xFFFFC180  }
0x61: {  	[spmem:s2] =	stream.indirect.scatter.add.f32 [tilespmem:s17], [sflag:$0x3], $0x80, s23, s18, $0xb8;
	[tilespmem:$0x1E800] =	vst v63  }
0x62: {  	_ =	swait.ge [sflag:s15], $0x3E80  }
0x63: {  	[sflag:s15] =	ssyncset.done $0x0  }
0x64: {  	[sflag:s15] =	ssyncadd.s32 $0xFFFFC180  }
0x65: {  	_ =	swait.ge [sflag:s22], $0x3E80  }
0x66: {  	[sflag:s22] =	ssyncset.done $0x0  }
0x67: {  	[sflag:s22] =	ssyncadd.s32 $0xFFFFC180  }
0x68: {  	[spmem:s2] =	stream.indirect.scatter.add.f32 [tilespmem:s20], [sflag:$0x3], $0x80, s24, s18, $0xb8;
	[tilespmem:$0x1E800] =	vst v63  }
0x69: {  	_ =	swait.ge [sflag:s15], $0x3E80  }
0x6a: {  	s26 =	sshll.u32 s0, $0x6;
	s25 =	sadd.s32 $0x1, s25;
	[sflag:s15] =	ssyncset.done $0x0  }
0x6b: {  	s31 =	sshrl.u32 s7, $0x3;
	p0 =	sne.s32 s25, s14;
	[sflag:s15] =	ssyncadd.s32 $0xFFFFC180  }
.Ltmp2:
0x6c: {  	s26 =	sor.u32 $0x1C03, s26;
	[bflag:$0x0] =	sbarrier.arrive $0xFFFF;
	(pc) =	sbr.rel @p0 .LBB2_1-.Ltmp2, $4  }
0x6d: {  	[hbm:s13], [sflag:s26] =	dma.local [spmem:s31], $0x2800  }
0x6e: {  	_ =	swait.ge [sflag:s15], $0x2800  }
0x6f: {  	[sflag:s15] =	ssyncset.done $0x0  }
0x70: {  	[sflag:s15] =	ssyncadd.s32 $0xFFFFD800  }
0x71: {  	_ =	sfence.sel $0x180000  }
0x72: {  	[bflag:$0x0] =	sbarrier.arrive $0xFFFF  }
0x73: {  	p0 =	sne.s32 s0, $0x0;
	_ =	strace $0x9000004D  }
0x74: {  	s0 =	sadd.s32 @!p0 $0x100000, s1;
	[bflag:$0x2] =	sbarrier.arrive $0xFFFF  }
0x75: {  	[sflag:s0] =	ssyncadd.tile.s32 @!p0 $0x1;
	_ =	shalt  }
.Lfunc_end2:
_tile_overlayer_lowered:
.L_overlay_start_2:
0x76: {  	(tag) =	ssettag $0x2  }
0x77: {  	s0 =	rddreg [dreg:$0x0];
	s2 =	stileid.u32  }
0x78: {  	s1 =	rddreg [dreg:$0x1];
	p0 =	sne.s32 s2, $0x0  }
0x79: {  	s3 =	rddreg [dreg:$0x2];
	[bflag:$0x3] =	sbarrier.arrive $0xFFFF;
	s2 =	simm.s32 @!p0 $0x1C03  }
0x7a: {  	[timem:s3], [sflag:s2] =	dma.local @!p0 [hbm:s0], s1  }
0x7b: {  	s0 =	simm.s32 @!p0 $0x3  }
0x7c: {  	_ =	swait.ge @!p0 [sflag:s0], s1  }
0x7d: {  	s1 =	ssub.s32 @!p0 $0x0, s1;
	[sflag:s0] =	ssyncset.done @!p0 $0x0  }
0x7e: {  	[sflag:s0] =	ssyncadd.s32 @!p0 s1  }
0x7f: {  	[bflag:$0x3] =	sbarrier.arrive $0xFFFF  }
0x80: {  	_ =	shalt  }

// kernel: kernel.8.cloned.1.call-start
scs
__scs_entry_jumppad:
0x0: {  	(pc) =	sbr.rel $0x88, $3  }
0x1: {  	(tag) =	ssettag $0x0;
	lr =	simm.s32 $0x1  }
0x2: {  	[smem:$0x3F9B] =	sst lr;
	_ =	strace $0xD0000000  }
0x3: {  	_ = 	snop  }
0x4: {  	_ = 	snop  }
0x5: {  	_ = 	snop  }
0x6: {  	_ = 	snop  }
0x7: {  	_ = 	snop  }
__scs_overlays_trampoline_lowered:
0x8: {  	[smem:$0x3FAA] =	sst s0  }
0x9: {  	[smem:$0x3FAB] =	sst s1  }
0xa: {  	[smem:$0x3FAC] =	sst s2  }
0xb: {  	[smem:$0x3FAD] =	sst s3  }
0xc: {  	[smem:$0x3FAE] =	sst s4  }
0xd: {  	[smem:$0x3FAF] =	sst s5  }
0xe: {  	[smem:$0x3FB0] =	sst s6  }
0xf: {  	[smem:$0x3FB1] =	sst s7  }
0x10: {  	[smem:$0x3FB2] =	sst s8  }
0x11: {  	[smem:$0x3FB3] =	sst s9;
	s0 =	simm.s32 @!p0 $0x0  }
0x12: {  	s1 =	sld [smem:$0x3F99];
	s0 =	simm.s32 @p0 $0x1  }
0x13: {  	[smem:$0x3FB4] =	sst s0;
	s0 =	simm.s32 @!p1 $0x0  }
0x14: {  	s2 =	sld [smem:$0x3F98];
	s0 =	simm.s32 @p1 $0x1  }
0x15: {  	[smem:$0x3FB5] =	sst s0;
	s0 =	simm.s32 @!p2 $0x0  }
0x16: {  	s3 =	sld [smem:$0x3FDB];
	s0 =	simm.s32 @p2 $0x1  }
0x17: {  	s4 =	simm.s32 $0x1BF5;
	[smem:$0x3FB7] =	sst s0  }
0x18: {  	s0 =	sld [smem:$0x3F9A];
	_ =	swait.ge [sflag:s4], $0x0  }
0x19: {  	s7 =	sld [smem:$0x3F9B]  }
0x1a: {  	s8 =	sadd.s32 $0xFFFFE003, lr  }
0x1b: {  	s9 =	sadd.s32 $0xFFFFFEF7, lr;
	s5 =	simm.s32 $0xFFFFFFFF;
	p2 =	slt.u32 s8, $0xFFFFF086  }
0x1c: {  	p1 =	slt.u32 s9, $0xF7A;
	s5 =	simm.s32 @!p2 $0x0  }
0x1d: {  	s5 =	simm.s32 @p1 $0x1;
	p0 =	seq.s32 s7, s2  }
0x1e: {  	s7 =	smul.u32 @!p0 $0xF7A, s2;
	p2 =	seq.s32 @!p0 s5, $0x0  }
0x1f: {  	s9 =	smul.u32 $0xF7A, s1;
	s8 =	simm.s32 @!p0 $0x1BF5;
	p2 =	por !p2, p0  }
0x20: {  	[sflag:s8] =	ssyncset.s32 @!p0 $0xFFFFF086;
	s6 =	sadd.s32 @!p0 s3, s7;
	s7 =	simm.s32 @!p0 $0x108  }
0x21: {  	s3 =	sadd.s32 s3, s9;
	s6 =	sadd.s32 @!p0 $0x88, s6;
	s7 =	simm.s32 @p2 $0x1082  }
0x22: {  	[simem:s7], [sflag:s8] =	dma.local @!p0 [hbm:s6], $0xF7A  }
0x23: {  	s9 =	sor.u32 $0xD0000000, s2;
	s6 =	simm.s32 $0x108;
	_ =	swait.ge @!p0 [sflag:s8], $0x0  }
0x24: {  	s3 =	sadd.s32 $0x88, s3;
	s6 =	simm.s32 @!p1 $0x1082;
	[sflag:s4] =	ssyncset.s32 $0xFFFFF086  }
0x25: {  	[simem:s6], [sflag:s4] =	dma.local [hbm:s3], $0xF7A  }
0x26: {  	[smem:$0x3F9B] =	sst s1;
	(tag) =	ssettag s2;
	_ =	strace s9  }
0x27: {  	s1 =	sld [smem:$0x3FAB]  }
0x28: {  	s2 =	sld [smem:$0x3FAC]  }
0x29: {  	s4 =	sld [smem:$0x3FAE]  }
0x2a: {  	p0 =	seq.s32 s5, $0x0;
	s5 =	sld [smem:$0x3FAF]  }
0x2b: {  	s6 =	sld [smem:$0x3FB0]  }
0x2c: {  	s7 =	sld [smem:$0x3FB1]  }
0x2d: {  	s3 =	simm.s32 $0x108;
	s8 =	sld [smem:$0x3FB2]  }
0x2e: {  	s3 =	simm.s32 @!p0 $0x1082;
	s9 =	sld [smem:$0x3FB3]  }
0x2f: {  	lr =	sadd.s32 s0, s3;
	s0 =	sld [smem:$0x3FAA]  }
0x30: {  	s3 =	sld [smem:$0x3FAD]  }
0x31: {  	[smem:$0x3FB6] =	sst s10  }
0x32: {  	s10 =	sld [smem:$0x3FB4];
	_ =	sdelay $0x3  }
0x33: {  	p0 =	seq.s32 s10, $0x1;
	s10 =	sld [smem:$0x3FB6];
	_ =	sdelay $0x3  }
0x34: {  	[smem:$0x3FB6] =	sst s10  }
0x35: {  	s10 =	sld [smem:$0x3FB5];
	_ =	sdelay $0x3  }
0x36: {  	p1 =	seq.s32 s10, $0x1;
	s10 =	sld [smem:$0x3FB6];
	_ =	sdelay $0x3  }
0x37: {  	[smem:$0x3FB6] =	sst s10  }
0x38: {  	s10 =	sld [smem:$0x3FB7]  }
0x39: {  	_ = 	snop;
	(pc) =	sbr.ind lr, $3  }
0x3a: {  	_ = 	snop  }
0x3b: {  	_ = 	snop  }
0x3c: {  	p2 =	seq.s32 s10, $0x1;
	s10 =	sld [smem:$0x3FB6]  }
0x3d: {  	_ =	shalt  }
0x3e: {  	_ =	shalt  }
0x3f: {  	_ =	shalt  }
0x40: {  	_ =	shalt  }
0x41: {  	_ =	shalt  }
0x42: {  	_ =	shalt  }
0x43: {  	_ =	shalt  }
0x44: {  	_ =	shalt  }
0x45: {  	_ =	shalt  }
0x46: {  	_ =	shalt  }
0x47: {  	_ =	shalt  }
0x48: {  	_ =	shalt  }
0x49: {  	_ =	shalt  }
0x4a: {  	_ =	shalt  }
0x4b: {  	_ =	shalt  }
0x4c: {  	_ =	shalt  }
0x4d: {  	_ =	shalt  }
0x4e: {  	_ =	shalt  }
0x4f: {  	_ =	shalt  }
0x50: {  	_ =	shalt  }
0x51: {  	_ =	shalt  }
0x52: {  	_ =	shalt  }
0x53: {  	_ =	shalt  }
0x54: {  	_ =	shalt  }
0x55: {  	_ =	shalt  }
0x56: {  	_ =	shalt  }
0x57: {  	_ =	shalt  }
0x58: {  	_ =	shalt  }
0x59: {  	_ =	shalt  }
0x5a: {  	_ =	shalt  }
0x5b: {  	_ =	shalt  }
0x5c: {  	_ =	shalt  }
0x5d: {  	_ =	shalt  }
0x5e: {  	_ =	shalt  }
0x5f: {  	_ =	shalt  }
0x60: {  	_ =	shalt  }
0x61: {  	_ =	shalt  }
0x62: {  	_ =	shalt  }
0x63: {  	_ =	shalt  }
0x64: {  	_ =	shalt  }
0x65: {  	_ =	shalt  }
0x66: {  	_ =	shalt  }
0x67: {  	_ =	shalt  }
0x68: {  	_ =	shalt  }
0x69: {  	_ =	shalt  }
0x6a: {  	_ =	shalt  }
0x6b: {  	_ =	shalt  }
0x6c: {  	_ =	shalt  }
0x6d: {  	_ =	shalt  }
0x6e: {  	_ =	shalt  }
0x6f: {  	_ =	shalt  }
0x70: {  	_ =	shalt  }
0x71: {  	_ =	shalt  }
0x72: {  	_ =	shalt  }
0x73: {  	_ =	shalt  }
0x74: {  	_ =	shalt  }
0x75: {  	_ =	shalt  }
0x76: {  	_ =	shalt  }
0x77: {  	_ =	shalt  }
0x78: {  	_ =	shalt  }
0x79: {  	_ =	shalt  }
0x7a: {  	_ =	shalt  }
0x7b: {  	_ =	shalt  }
0x7c: {  	_ =	shalt  }
0x7d: {  	_ =	shalt  }
0x7e: {  	_ =	shalt  }
0x7f: {  	_ =	shalt  }
0x80: {  	_ =	shalt  }
0x81: {  	_ =	shalt  }
0x82: {  	_ =	shalt  }
0x83: {  	_ =	shalt  }
0x84: {  	_ =	shalt  }
0x85: {  	_ =	shalt  }
0x86: {  	_ =	shalt  }
0x87: {  	_ =	shalt  }
.Lfunc_end0:
.L_simem_size_0:
called_computation_lowered:
.L_overlay_start_0:
0x88: {  	s2 =	sld [smem:$0x3FD9]  }
0x89: {  	s3 =	sld [smem:$0x3FFE];
	_ =	sdelay $0x1  }
0x8a: {  	s1 =	srdreg.scid  }
0x8b: {  	s0 =	sand.u32 $0x1, s1  }
0x8c: {  	s17 =	sshll.u32 s0, $0xA;
	s2 =	sadd.s32 s3, s2  }
0x8d: {  	s2 =	sadd.s32 s2, s17  }
0x8e: {  	[smem:$0x3FC2] =	sst s2  }
0x8f: {  	_ = 	snop  }
0x90: {  	s2 =	sld [smem:$0x3FD0];
	(tm) =	ssettm $0x1  }
0x91: {  	s18 =	sld [smem:$0x3FFB];
	_ =	sdelay $0x3  }
0x92: {  	_ =	strace s18  }
0x93: {  	s3 =	sld [smem:$0x3FFC];
	_ =	sdelay $0x3  }
0x94: {  	_ =	strace s3  }
0x95: {  	s3 =	sld [smem:$0x3FFD];
	_ =	sdelay $0x3  }
0x96: {  	_ =	strace s3  }
0x97: {  	_ =	strace $0x8FFFFFFF  }
0x98: {  	s19 =	sld [smem:$0x3FDB];
	_ =	sdelay $0x1  }
0x99: {  	s4 =	simm.s32 $_scs_section_size  }
0x9a: {  	s5 =	simm.s32 $_size__tile_overlayer_lowered;
	s6 =	simm.s32 $_tile_overlayer_lowered  }
0x9b: {  	s22 =	simm.s32 $0x1BFF;
	s21 =	sshll.u32 s6, $0x1;
	s3 =	sadd.s32 s4, s19  }
0x9c: {  	s7 =	simm.s32 $0x0;
	s20 =	sshll.u32 s5, $0x1;
	s5 =	sadd.s32 s21, s3  }
0x9d: {  	[timem:s7], [sflag:s22] =	dma.local [hbm:s5], s20  }
0x9e: {  	_ =	swait.ge [sflag:s22], s20  }
0x9f: {  	s4 =	ssub.s32 $0x0, s20;
	[sflag:s22] =	ssyncset.done $0x0  }
0xa0: {  	[sflag:s22] =	ssyncadd.s32 s4;
	_ =	sdelay $0x1  }
0xa1: {  	s23 =	simm.s32 $0x1B8B  }
0xa2: {  	_ =	swait.ge [sflag:s23], $0x1  }
0xa3: {  	[sflag:s23] =	ssyncset.done $0x0  }
0xa4: {  	s25 =	simm.s32 $0x1B8E;
	s24 =	sld [smem:$0x3FFE];
	[sflag:s23] =	ssyncadd.s32 $0xFFFFFFFF  }
0xa5: {  	s26 =	simm.s32 $execute0_lowered;
	[smem:$0x3FD2] =	sst s25  }
0xa6: {  	s5 =	sshll.u32 s26, $0x1;
	_ =	strace $0x80000046;
	[dreg:$0x1] =	wrdreg $0xFFFFFFFF  }
0xa7: {  	s28 =	simm.s32 $_size_execute0_lowered;
	s3 =	sadd.s32 s3, s5;
	[dreg:$0x0] =	wrdreg $0x0  }
0xa8: {  	s5 =	sshll.u32 s28, $0x1;
	[dreg:$0x2] =	wrdreg s3  }
0xa9: {  	[dreg:$0x3] =	wrdreg s5  }
0xaa: {  	[dreg:$0x4] =	wrdreg $0xC0  }
0xab: {  	_ =	task [dreg:s7], $0x5FFFF  }
0xac: {  	[dreg:$0x1] =	wrdreg $0xFFFFFFFF  }
0xad: {  	[dreg:$0x0] =	wrdreg $0x60  }
0xae: {  	[dreg:$0x2] =	wrdreg s24  }
0xaf: {  	[dreg:$0x3] =	wrdreg s2  }
0xb0: {  	[dreg:$0x4] =	wrdreg $0x66800  }
0xb1: {  	[dreg:$0x5] =	wrdreg $0x9  }
0xb2: {  	_ =	task.clear_ibuf [dreg:s7], $0x6FFFF;
	_ =	strace $0x90000046  }
0xb3: {  	s29 =	simm.s32 $0x9;
	_ =	strace $0x80000048  }
0xb4: {  	_ =	swait.ge [sflag:s29], $0x1  }
0xb5: {  	[sflag:s29] =	ssyncadd.s32 $0xFFFFFFFF  }
0xb6: {  	_ =	strace $0x90000048  }
0xb7: {  	_ =	sfence  }
0xb8: {  	s30 =	sld [smem:$0x0];
	_ =	sdelay $0x2  }
0xb9: {  	s31 =	sshll.u32 s1, $0xD;
	s1 =	sshrl.u32 s1, $0x2  }
0xba: {  	s3 =	sand.u32 $0x4000, s31;
	s1 =	sadd.s32 s1, s30  }
0xbb: {  	s0 =	sor.u32 s3, s0;
	s1 =	sshll.u32 s1, $0x11  }
0xbc: {  	s0 =	sor.u32 s1, s0  }
0xbd: {  	s0 =	sadd.s32 $0x8F2B, s0  }
0xbe: {  	[sflag:s0] =	ssyncadd.remote.s32 $0x1  }
0xbf: {  	_ =	sfence.sel $0xFFFF  }
0xc0: {  	[dreg:$0x0] =	wrdreg $0xFFFFFFFF;
	(pc) =	sbr.abs _section_cstart, $3  }
0xc1: {  	[dreg:$0x1] =	wrdreg $0xFFFFFFFF  }
0xc2: {  	_ =	task.clear_ibuf [dreg:s7], $0x2FFFF;
	_ =	strace $0x9FFFFFFF  }
0xc3: {  	(tm) =	ssettm $0x7FFFFFFF  }
tec
execute0_lowered:
.L_overlay_start_1:
0x0: {  	(tag) =	ssettag $0x1  }
0x1: {  	s3 =	rddreg [dreg:$0x0]  }
0x2: {  	s0 =	srdreg.scid;
	s6 =	rddreg [dreg:$0x1]  }
0x3: {  	s5 =	rddreg [dreg:$0x2];
	s1 =	stileid.u32  }
0x4: {  	s2 =	simm.s32 $0x0;
	s12 =	simm.s32 $0x14000;
	s13 =	simm.s32 $0x3C00  }
0x5: {  	s14 =	simm.s32 $0x100;
	s4 =	sand.u32 $0x1, s0;
	s0 =	rddreg [dreg:$0x3]  }
0x6: {  	s15 =	simm.s32 $0x6400;
	s16 =	simm.s32 $0x0;
	[smem:$0x7FF] =	sst s2  }
0x7: {  	s10 =	sshrl.u32 s1, $0x3;
	s28 =	sshll.u32 s1, $0x7;
	s29 =	smul.u32 $0x500, s1  }
0x8: {  	s11 =	smul.u32 $0x5000, s1;
	s7 =	sshll.u32 s4, $0x4;
	_ =	strace $0x80000047  }
0x9: {  	s8 =	ssub.s32 $0x2, s4;
	s26 =	smul.u32 $0x50000, s10;
	s7 =	sor.u32 s1, s7  }
0xa: {  	s4 =	sshll.u32 s4, $0x7;
	s9 =	sshrl.u32 s8, $0x1;
	s7 =	smul.u32 $0x1400, s7  }
0xb: {  	s10 =	sor.u32 s4, s29;
	s30 =	sshrl.u32 s11, $0x2;
	s11 =	simm.s32 $0x400  }
0xc: {  	s8 =	ssub.s32 s8, s9;
	s9 =	sand.u32 $0x380, s28;
	s7 =	sshrl.u32 s7, $0x3  }
0xd: {  	s31 =	sshrl.u32 s10, $0x3;
	s3 =	sadd.s32 s3, s7;
	s7 =	sshrl.u32 s26, $0x2  }
0xe: {  	s10 =	simm.s32 $0x80;
	s6 =	sadd.s32 s6, s31;
	s7 =	sadd.s32 s7, s5  }
0xf: {  	s3 =	sadd.s32 $0x7200, s3;
	s5 =	sadd.s32 s30, s5;
	s4 =	sadd.s32 s9, s7  }
0x10: {  	v0 =	vimm.f32 $0.0e+00;
	v1 =	vimm.f32 $1.000000000e+00;
	vm0 =	vcmask $0x3F0C;
	s7 =	smax.u32 s8, $0x1;
	s8 =	simm.s32 $0x1;
	s9 =	simm.s32 $0x1400  }
.LBB2_1:
0x11: {  	[tilespmem:s2], [sflag:$0x1] =	stream.linear.gather [hbm4b:s3+s2], $0x1400, $0x38;
	[tilespmem:$0x8E80] =	vst v63  }
0x12: {  	_ =	swait.ge [sflag:s8], $0x1400  }
0x13: {  	[sflag:s8] =	ssyncset.done $0x0  }
0x14: {  	s17 =	simm.s32 $0x0;
	[sflag:s8] =	ssyncadd.s32 $0xFFFFEC00  }
.LBB2_2:
0x15: {  	p0 =	sne.s32 s17, $0x9FC0  }
.Ltmp0:
0x16: {  	_ = 	snop;
	(pc) =	sbr.rel @p0 .LBB2_2-.Ltmp0, $3  }
0x17: {  	_ =	sdelay $0x1  }
0x18: {  	s18 =	sshra.s32 s17, $0x2  }
0x19: {  	s17 =	sadd.s32 $0x40, s17;
	[tilespmem:s18+$0x1400] =	vst v0  }
0x1a: {  	s17 =	simm.s32 $0x0  }
.LBB2_4:
0x1b: {  	s18 =	sshra.s32 s17, $0x2  }
0x1c: {  	v2 =	vld [tilespmem:s18+$0x0];
	_ =	sdelay $0x7  }
0x1d: {  	[tilespmem:v2+s9+$0x0] =	vst.idx.add.f32.msk $0xffff, v1  }
0x1e: {  	v2 =	vld [tilespmem:s18+$0x10];
	_ =	sdelay $0x7  }
0x1f: {  	[tilespmem:v2+s9+$0x0] =	vst.idx.add.f32.msk $0xffff, v1  }
0x20: {  	v2 =	vld [tilespmem:s18+$0x20];
	_ =	sdelay $0x7  }
0x21: {  	[tilespmem:v2+s9+$0x0] =	vst.idx.add.f32.msk $0xffff, v1  }
0x22: {  	v2 =	vld [tilespmem:s18+$0x30];
	_ =	sdelay $0x7  }
0x23: {  	[tilespmem:v2+s9+$0x0] =	vst.idx.add.f32.msk $0xffff, v1  }
0x24: {  	v2 =	vld [tilespmem:s18+$0x40];
	_ =	sdelay $0x7  }
0x25: {  	[tilespmem:v2+s9+$0x0] =	vst.idx.add.f32.msk $0xffff, v1  }
0x26: {  	v2 =	vld [tilespmem:s18+$0x50];
	_ =	sdelay $0x7  }
0x27: {  	[tilespmem:v2+s9+$0x0] =	vst.idx.add.f32.msk $0xffff, v1  }
0x28: {  	v2 =	vld [tilespmem:s18+$0x60];
	_ =	sdelay $0x7  }
0x29: {  	[tilespmem:v2+s9+$0x0] =	vst.idx.add.f32.msk $0xffff, v1  }
0x2a: {  	v2 =	vld [tilespmem:s18+$0x6D];
	_ =	sdelay $0x2  }
0x2b: {  	p0 =	sne.s32 s17, $0x4E00  }
.Ltmp1:
0x2c: {  	_ = 	snop;
	(pc) =	sbr.rel @p0 .LBB2_4-.Ltmp1, $2  }
0x2d: {  	_ =	sdelay $0x2  }
0x2e: {  	s17 =	sadd.s32 $0x200, s17;
	[tilespmem:v2+s9+$0x0] =	vst.idx.add.f32.msk vm0, v1  }
0x2f: {  	[spmem:s4] =	stream.strided.scatter [tilespmem:s9], [sflag:$0x1], $0x2800, s11, s10, $0x38;
	[tilespmem:$0x8E80] =	vst v63  }
0x30: {  	_ =	swait.ge [sflag:s8], $0x2800  }
0x31: {  	[sflag:s8] =	ssyncset.done $0x0  }
0x32: {  	[sflag:s8] =	ssyncadd.s32 $0xFFFFD800  }
0x33: {  	[bflag:$0x0] =	sbarrier.arrive $0xFFFF  }
0x34: {  	[tilespmem:s13], [sflag:$0x1] =	stream.strided.gather [spmem:s5], $0x2800, s12, s9, $0x38;
	[tilespmem:$0x8E80] =	vst v63  }
0x35: {  	s17 =	simm.s32 $0x0;
	_ =	swait.ge [sflag:s8], $0x2800  }
0x36: {  	s18 =	sand.u32 $0x70, s17;
	s17 =	sand.u32 $0x1C00, s17;
	[sflag:s8] =	ssyncset.done $0x0  }
0x37: {  	s17 =	sor.u32 s18, s17;
	[sflag:s8] =	ssyncadd.s32 $0xFFFFD800  }
0x38: {  	v2 =	vld [tilespmem:s17+$0x3C80]  }
0x39: {  	v3 =	vld [tilespmem:s17+$0x3C00];
	_ =	sdelay $0x1  }
0x3a: {  	v4 =	vld [tilespmem:s17+$0x3D00];
	_ =	sdelay $0x1  }
0x3b: {  	v5 =	vld [tilespmem:s17+$0x3D80]  }
0x3c: {  	v2 =	vadd.f32 v2, v3  }
0x3d: {  	v3 =	vld [tilespmem:s17+$0x3E00]  }
0x3e: {  	v2 =	vadd.f32 v4, v2  }
0x3f: {  	v56 =	vld [tilespmem:s17+$0x3E80]  }
0x40: {  	v2 =	vadd.f32 v5, v2  }
0x41: {  	v57 =	vld [tilespmem:s17+$0x3F00]  }
0x42: {  	v2 =	vadd.f32 v3, v2  }
0x43: {  	v3 =	vld [tilespmem:s17+$0x3F80]  }
0x44: {  	v2 =	vadd.f32 v56, v2  }
0x45: {  	v58 =	vld [tilespmem:s17+$0x5000]  }
0x46: {  	v2 =	vadd.f32 v57, v2  }
0x47: {  	v59 =	vld [tilespmem:s17+$0x5080]  }
0x48: {  	v2 =	vadd.f32 v3, v2  }
0x49: {  	v3 =	vld [tilespmem:s17+$0x5100]  }
0x4a: {  	v2 =	vadd.f32 v58, v2  }
0x4b: {  	v60 =	vld [tilespmem:s17+$0x5180]  }
0x4c: {  	v2 =	vadd.f32 v59, v2  }
0x4d: {  	v61 =	vld [tilespmem:s17+$0x5200]  }
0x4e: {  	v2 =	vadd.f32 v3, v2  }
0x4f: {  	v3 =	vld [tilespmem:s17+$0x5280]  }
0x50: {  	v2 =	vadd.f32 v60, v2  }
0x51: {  	v62 =	vld [tilespmem:s17+$0x5300]  }
0x52: {  	v2 =	vadd.f32 v61, v2  }
0x53: {  	v63 =	vld [tilespmem:s17+$0x5380]  }
0x54: {  	v2 =	vadd.f32 v3, v2;
	_ =	sdelay $0x1  }
0x55: {  	v2 =	vadd.f32 v62, v2;
	_ =	sdelay $0x1  }
0x56: {  	s31 =	simm.s32 $0x10;
	s19 =	simm.s32 $0x80;
	v2 =	vadd.f32 v63, v2  }
0x57: {  	s20 =	sand.u32 $0x1C00, s19;
	s18 =	sand.u32 $0x70, s31;
	s17 =	simm.s32 $0x6400  }
0x58: {  	s18 =	sor.u32 s18, s20;
	s20 =	simm.s32 $0x20;
	[tilespmem:s17+$0x0] =	vst v2  }
.LBB2_6:
0x59: {  	p0 =	sne.s32 s20, $0x270;
	v2 =	vld [tilespmem:s18+$0x3C80]  }
0x5a: {  	v3 =	vld [tilespmem:s18+$0x3C00];
	_ =	sdelay $0x1  }
0x5b: {  	v4 =	vld [tilespmem:s18+$0x3D00];
	_ =	sdelay $0x1  }
0x5c: {  	v5 =	vld [tilespmem:s18+$0x3D80]  }
0x5d: {  	v2 =	vadd.f32 v2, v3  }
0x5e: {  	v3 =	vld [tilespmem:s18+$0x3E00]  }
0x5f: {  	v2 =	vadd.f32 v4, v2  }
0x60: {  	v4 =	vld [tilespmem:s18+$0x3E80]  }
0x61: {  	v2 =	vadd.f32 v5, v2  }
0x62: {  	v5 =	vld [tilespmem:s18+$0x3F00]  }
0x63: {  	v2 =	vadd.f32 v3, v2  }
0x64: {  	v3 =	vld [tilespmem:s18+$0x3F80]  }
0x65: {  	v2 =	vadd.f32 v4, v2  }
0x66: {  	v4 =	vld [tilespmem:s18+$0x5000]  }
0x67: {  	v2 =	vadd.f32 v5, v2  }
0x68: {  	v5 =	vld [tilespmem:s18+$0x5080]  }
0x69: {  	v2 =	vadd.f32 v3, v2  }
0x6a: {  	v3 =	vld [tilespmem:s18+$0x5100]  }
0x6b: {  	v2 =	vadd.f32 v4, v2  }
0x6c: {  	v4 =	vld [tilespmem:s18+$0x5180]  }
0x6d: {  	v2 =	vadd.f32 v5, v2  }
0x6e: {  	v5 =	vld [tilespmem:s18+$0x5200]  }
0x6f: {  	v2 =	vadd.f32 v3, v2  }
0x70: {  	v3 =	vld [tilespmem:s18+$0x5280]  }
0x71: {  	v2 =	vadd.f32 v4, v2  }
0x72: {  	v4 =	vld [tilespmem:s18+$0x5300]  }
0x73: {  	v2 =	vadd.f32 v5, v2  }
0x74: {  	v5 =	vld [tilespmem:s18+$0x5380]  }
0x75: {  	v2 =	vadd.f32 v3, v2;
	_ =	sdelay $0x1  }
.Ltmp2:
0x76: {  	v2 =	vadd.f32 v4, v2;
	(pc) =	sbr.rel @p0 .LBB2_6-.Ltmp2, $4  }
0x77: {  	_ = 	snop  }
0x78: {  	s19 =	sadd.s32 $0x80, s19;
	v2 =	vadd.f32 v5, v2  }
0x79: {  	s17 =	sadd.s32 $0x10, s17;
	s21 =	sand.u32 $0x1C00, s19;
	s18 =	sand.u32 $0x70, s20  }
0x7a: {  	s20 =	sadd.s32 $0x10, s20;
	s18 =	sor.u32 s18, s21;
	[tilespmem:s17+$0x0] =	vst v2  }
0x7b: {  	v2 =	vld [tilespmem:s18+$0x3C80]  }
0x7c: {  	v3 =	vld [tilespmem:s18+$0x3C00];
	_ =	sdelay $0x1  }
0x7d: {  	v4 =	vld [tilespmem:s18+$0x3D00];
	_ =	sdelay $0x1  }
0x7e: {  	v5 =	vld [tilespmem:s18+$0x3D80]  }
0x7f: {  	v2 =	vadd.f32 v2, v3  }
0x80: {  	v3 =	vld [tilespmem:s18+$0x3E00]  }
0x81: {  	v2 =	vadd.f32 v4, v2  }
0x82: {  	v56 =	vld [tilespmem:s18+$0x3E80]  }
0x83: {  	v2 =	vadd.f32 v5, v2  }
0x84: {  	v57 =	vld [tilespmem:s18+$0x3F00]  }
0x85: {  	v2 =	vadd.f32 v3, v2  }
0x86: {  	v3 =	vld [tilespmem:s18+$0x3F80]  }
0x87: {  	v2 =	vadd.f32 v56, v2  }
0x88: {  	v58 =	vld [tilespmem:s18+$0x5000]  }
0x89: {  	v2 =	vadd.f32 v57, v2  }
0x8a: {  	v59 =	vld [tilespmem:s18+$0x5080]  }
0x8b: {  	v2 =	vadd.f32 v3, v2  }
0x8c: {  	v3 =	vld [tilespmem:s18+$0x5100]  }
0x8d: {  	v2 =	vadd.f32 v58, v2  }
0x8e: {  	v60 =	vld [tilespmem:s18+$0x5180]  }
0x8f: {  	v2 =	vadd.f32 v59, v2  }
0x90: {  	v61 =	vld [tilespmem:s18+$0x5200]  }
0x91: {  	v2 =	vadd.f32 v3, v2  }
0x92: {  	v3 =	vld [tilespmem:s18+$0x5280]  }
0x93: {  	v2 =	vadd.f32 v60, v2  }
0x94: {  	v62 =	vld [tilespmem:s18+$0x5300]  }
0x95: {  	v2 =	vadd.f32 v61, v2  }
0x96: {  	v63 =	vld [tilespmem:s18+$0x5380]  }
0x97: {  	v2 =	vadd.f32 v3, v2;
	_ =	sdelay $0x1  }
0x98: {  	v2 =	vadd.f32 v62, v2;
	_ =	sdelay $0x1  }
0x99: {  	s16 =	sadd.s32 $0x1, s16;
	v2 =	vadd.f32 v63, v2  }
0x9a: {  	s17 =	sadd.s32 $0x10, s17;
	p0 =	sne.s32 s16, s7  }
.Ltmp3:
0x9b: {  	[tilespmem:s17+$0x0] =	vst v2;
	(pc) =	sbr.rel @p0 .LBB2_1-.Ltmp3, $4  }
0x9c: {  	[hbm4b:s6+s10] =	stream.strided.scatter [tilespmem:s15], [sflag:$0x1], $0x280, s14, s10, $0x38;
	[tilespmem:$0x8E80] =	vst v63  }
0x9d: {  	_ =	swait.ge [sflag:s8], $0x280  }
0x9e: {  	[sflag:s8] =	ssyncset.done $0x0  }
0x9f: {  	[sflag:s8] =	ssyncadd.s32 $0xFFFFFD80  }
0xa0: {  	_ =	sfence.sel $0x180000  }
0xa1: {  	[bflag:$0x0] =	sbarrier.arrive $0xFFFF  }
0xa2: {  	p0 =	sne.s32 s1, $0x0;
	_ =	strace $0x90000047  }
0xa3: {  	s0 =	sadd.s32 @!p0 $0x100000, s0;
	[bflag:$0x2] =	sbarrier.arrive $0xFFFF  }
0xa4: {  	[sflag:s0] =	ssyncadd.tile.s32 @!p0 $0x1;
	_ =	shalt  }
.Lfunc_end2:
_tile_overlayer_lowered:
.L_overlay_start_2:
0xa5: {  	(tag) =	ssettag $0x2  }
0xa6: {  	s0 =	rddreg [dreg:$0x0];
	s2 =	stileid.u32  }
0xa7: {  	s1 =	rddreg [dreg:$0x1];
	p0 =	sne.s32 s2, $0x0  }
0xa8: {  	s3 =	rddreg [dreg:$0x2];
	[bflag:$0x3] =	sbarrier.arrive $0xFFFF;
	s2 =	simm.s32 @!p0 $0x1C01  }
0xa9: {  	[timem:s3], [sflag:s2] =	dma.local @!p0 [hbm:s0], s1  }
0xaa: {  	s0 =	simm.s32 @!p0 $0x1  }
0xab: {  	_ =	swait.ge @!p0 [sflag:s0], s1  }
0xac: {  	s1 =	ssub.s32 @!p0 $0x0, s1;
	[sflag:s0] =	ssyncset.done @!p0 $0x0  }
0xad: {  	[sflag:s0] =	ssyncadd.s32 @!p0 s1  }
0xae: {  	[bflag:$0x3] =	sbarrier.arrive $0xFFFF  }
0xaf: {  	_ =	shalt  }

</sc_bundles>
